<compile_context>
chip_gen: v7x
topology: tpu7x:2x2x1
jax: 0.10.2.dev20260603
libtpu: 0.0.44.dev20260713+nightly
codegen_flags: <defaults>
</compile_context>

<pallas_src>
import jax
import jax.numpy as jnp
import numpy as np
from jax import lax
from jax.experimental import pallas as pl
from jax.experimental.pallas import tpu as pltpu
from jax.experimental.pallas import tpu_sc as plsc

F32 = jnp.float32

_GUMBEL_BITS = np.array([
    2098992034, -1375260455, -1648100871, -1885421097, 1935504149, -1778692392,
    321304473, -965794640, -1292960115, -778962000, 1504549425, -546233744,
    -318336956, -600734152, 2051079642, -779614296, -1239722701, -1775121607,
    316699916, -955105191, 1737595975, 511630552, 112767485, -1549715218,
    1738307256, -481718140, 349930173, 1273049434, -1689297813, -265278939,
    -1047937670, 1969816450, 1321672318, -1070068449, -1957936640, 1563429166,
    -1394101267, -1760446757, 1240164476, 810095772, 1784422759, -1627950868,
    1828558832, -1987278387, -1521476234, 623660575, -1406843393, -485275332,
    -1426729085, 1034178993, -1846804103, 1809243482, 1776712698, -426714319,
    -1519127926, 1843963808, 1740519301, 1464458439, -1532296560, -504388322,
    642185510, 917011611, -622342733, 1540263734], np.int32).reshape(8, 8)

_F32_TINY = np.finfo(np.float32).tiny

_NCHUNK = 4
_CROWS = 1024 // _NCHUNK


def _sc_body(arch_hbm, oph_hbm, node_hbm, tmf_hbm,
             xh_out, vmf_out,
             arch_v, vm_v, tm_v):
    pltpu.sync_copy(arch_hbm, arch_v)
    pltpu.sync_copy(tmf_hbm, tm_v)

    ops_vec = arch_v[pl.ds(0, 16)]
    pltpu.sync_copy(node_hbm, xh_out.at[pl.ds(0, 2)])
    for s in range(4):
        pltpu.sync_copy(oph_hbm.at[ops_vec[2 * s]],
                        xh_out.at[2 + s, pl.ds(0, 512)])
        pltpu.sync_copy(oph_hbm.at[ops_vec[2 * s + 1]],
                        xh_out.at[2 + s, pl.ds(512, 512)])
    pltpu.sync_copy(node_hbm.at[0], xh_out.at[6])
    pltpu.sync_copy(node_hbm.at[0], xh_out.at[7])

    for e in range(8):
        v16 = tm_v[pl.ds(ops_vec[e] * 8, 16)]
        vm_v[pl.ds(e * 8, 16)] = v16
    pltpu.sync_copy(vm_v.at[pl.ds(0, 64)], vmf_out)


def _tc_body(arch_smem, arch_ref, xh_ref, vm_ref, eaw_hbm, eab_ref,
             g1w_hbm, g1b_ref, g2w_hbm, g2b_ref, fcw_ref, fcb_ref,
             gbits_ref,
             arch_out, logp_out, ent_out, probt_out,
             w1_buf, w2_buf, w3_buf, sems):
    def _mk(wi, hbm, buf, ci):
        return pltpu.make_async_copy(
            hbm.at[pl.ds(ci * _CROWS, _CROWS), :],
            buf.at[pl.ds(ci * _CROWS, _CROWS), :],
            sems.at[wi, ci])

    w1_copies = [_mk(0, eaw_hbm, w1_buf, ci) for ci in range(_NCHUNK)]
    w2_copies = [_mk(1, g1w_hbm, w2_buf, ci) for ci in range(_NCHUNK)]
    w3_copies = [_mk(2, g2w_hbm, w3_buf, ci) for ci in range(_NCHUNK)]
    for cp in w1_copies:
        cp.start()
    w2_copies[0].start()
    w2_copies[1].start()

    row8 = lax.broadcasted_iota(jnp.int32, (8, 8), 0)
    col8 = lax.broadcasted_iota(jnp.int32, (8, 8), 1)

    def mm(a, b):
        return jnp.dot(a, b, preferred_element_type=F32)

    x_hidden = xh_ref[:]
    v_mask = vm_ref[:]
    adj = jnp.zeros((8, 8), F32)
    for e in range(8):
        f_e = lax.rem(arch_smem[e, 1], 6)
        t_e = lax.rem(arch_smem[e, 2], 6)
        adj = jnp.maximum(adj, jnp.where((row8 == t_e) & (col8 == f_e), 1.0, 0.0).astype(F32))

    def chunked_mm(a, buf, wcopies, prefetch):
        acc = None
        for ci in range(_NCHUNK):
            wcopies[ci].wait()
            if ci < len(prefetch):
                prefetch[ci].start()
            part = mm(a[:, ci * _CROWS:(ci + 1) * _CROWS],
                      buf[pl.ds(ci * _CROWS, _CROWS), :])
            acc = part if acc is None else acc + part
        return acc

    x = chunked_mm(x_hidden, w1_buf, w1_copies,
                   [w2_copies[2], w2_copies[3], w3_copies[0], w3_copies[1]]
                   ) + eab_ref[:]
    h1 = jnp.maximum(mm(adj, chunked_mm(x, w2_buf, w2_copies,
                                        [w3_copies[2], w3_copies[3]])
                        ) + g1b_ref[:], 0.0)
    h2 = mm(adj, chunked_mm(h1, w3_buf, w3_copies, [])) + g2b_ref[:]
    p_full = mm(h2, fcw_ref[:]) + fcb_ref[:]

    d_mat = jnp.where(col8 == 2 + row8 // 2, 1.0, 0.0).astype(F32)
    p_dup = mm(d_mat, p_full)
    parity = lax.rem(row8, 2)
    logits = jnp.where(parity == 0, p_dup[:, 0:8], p_dup[:, 8:16])

    z = logits - jnp.max(logits, axis=-1, keepdims=True)
    ez = jnp.exp(z) * v_mask
    prob = ez / jnp.sum(ez, axis=-1, keepdims=True)
    log_prob = jnp.log(jnp.clip(prob, 1e-5, 1.0 - 1e-5))
    entropy = -jnp.sum(log_prob * prob)

    fbits = lax.shift_right_logical(gbits_ref[:], 9) | jnp.int32(0x3F800000)
    floats = lax.bitcast_convert_type(fbits, F32) - F32(1.0)
    tiny = F32(_F32_TINY)
    unif = jnp.maximum(tiny, floats * (F32(1.0) - tiny) + tiny)
    gum = -jnp.log(-jnp.log(unif))
    samp_logits = jnp.where(v_mask > 0, jnp.log(jnp.clip(prob, 1e-12, 1.0)), -1e9)
    y = samp_logits + gum
    ymax = jnp.max(y, axis=-1, keepdims=True)
    fop = jnp.min(jnp.where(y == ymax, col8, 8), axis=-1, keepdims=True)
    logp = jnp.sum(jnp.where(col8 == fop, log_prob, 0.0))

    arch_out[:] = jnp.concatenate([fop, arch_ref[:, 1:3]], axis=1)
    logp_out[...] = logp
    ent_out[...] = entropy
    probt_out[:] = prob.T


def kernel(arch, node_hidden, op_hidden, emb_attn_w, emb_attn_b,
           gc1_w, gc1_b, gc2_w, gc2_b, fc_w, fc_b, trans_mask):
    arch = arch.astype(jnp.int32)

    mesh = plsc.VectorSubcoreMesh(core_axis_name="c", subcore_axis_name="s",
                                  num_cores=1, num_subcores=1)
    xh, vmf = pl.kernel(
        _sc_body,
        out_type=[
            jax.ShapeDtypeStruct((8, 1024), F32),
            jax.ShapeDtypeStruct((64,), F32),
        ],
        mesh=mesh,
        scratch_types=[
            pltpu.VMEM((48,), jnp.int32),
            pltpu.VMEM((128,), F32),
            pltpu.VMEM((128,), F32),
        ],
    )(jnp.pad(arch.T, ((0, 0), (0, 8))).reshape(-1), op_hidden, node_hidden,
      jnp.pad(trans_mask.reshape(-1), (0, 64)))

    vmem = pl.BlockSpec(memory_space=pltpu.VMEM)
    smem = pl.BlockSpec(memory_space=pltpu.SMEM)
    anym = pl.BlockSpec(memory_space=pltpu.MemorySpace.HBM)
    new_arch, logp, ent, probt = pl.pallas_call(
        _tc_body,
        in_specs=[smem, vmem, vmem, vmem, anym, vmem, anym, vmem, anym,
                  vmem, vmem, vmem, vmem],
        out_specs=[vmem, smem, smem, vmem],
        out_shape=[
            jax.ShapeDtypeStruct((8, 3), jnp.int32),
            jax.ShapeDtypeStruct((), F32),
            jax.ShapeDtypeStruct((), F32),
            jax.ShapeDtypeStruct((8, 8), F32),
        ],
        scratch_shapes=[
            pltpu.VMEM((1024, 1024), F32),
            pltpu.VMEM((1024, 1024), F32),
            pltpu.VMEM((1024, 1024), F32),
            pltpu.SemaphoreType.DMA((3, _NCHUNK)),
        ],
    )(arch, arch, xh, vmf.reshape(8, 8), emb_attn_w,
      emb_attn_b.reshape(1, -1), gc1_w, gc1_b.reshape(1, -1),
      gc2_w, gc2_b.reshape(1, -1), fc_w, fc_b.reshape(1, -1),
      jnp.asarray(_GUMBEL_BITS))

    return (new_arch, logp, ent, probt)

# --- scband reference (transcript-rebuilt; emitter-appended) ---
"""Pipeline reference for scband-arch-transformer-gates-10754598110043 (READ-ONLY COPY).

The authoritative reference and input builder live on the scoring server;
editing this copy changes nothing except your own understanding.
"""

import jax, jax.numpy as jnp
import numpy as np

NUM_OPS = 8      # len(genotypes.FULLY_CONCAT_PRIMITIVES)
EDGE_HID = 512
NFEAT = 1024
GCN_HID = 1024
STEPS = 4


def setup_inputs(seed: int = 0) -> dict:
    key = jax.random.key(seed)
    ks = jax.random.split(key, 12)
    n_nodes = STEPS + 2
    # arch rows: (op, f, t); op indexes primitives, f/t index graph nodes (< steps+2 = 6)
    arch = jax.random.randint(ks[0], (2 * STEPS, 3), 0, 6)
    node_hidden = jax.random.normal(ks[1], (2, 2 * EDGE_HID), dtype=jnp.float32)
    op_hidden = jax.random.normal(ks[2], (NUM_OPS, EDGE_HID), dtype=jnp.float32)
    emb_attn_w = jax.random.normal(ks[3], (2 * EDGE_HID, NFEAT), dtype=jnp.float32) * 0.02
    emb_attn_b = jnp.zeros((NFEAT,), dtype=jnp.float32)
    gc1_w = jax.random.normal(ks[4], (NFEAT, GCN_HID), dtype=jnp.float32) * 0.02
    gc1_b = jnp.zeros((GCN_HID,), dtype=jnp.float32)
    gc2_w = jax.random.normal(ks[5], (GCN_HID, GCN_HID), dtype=jnp.float32) * 0.02
    gc2_b = jnp.zeros((GCN_HID,), dtype=jnp.float32)
    fc_w = jax.random.normal(ks[6], (GCN_HID, NUM_OPS * 2), dtype=jnp.float32) * 0.02
    fc_b = jnp.zeros((NUM_OPS * 2,), dtype=jnp.float32)
    # deterministic stand-in for FullyConcat_Transition_Dict: binary allowed-transition mask
    i = np.arange(NUM_OPS)
    trans_mask = jnp.asarray(
        (((i[:, None] + i[None, :]) % 2) == 0) | (i[:, None] == i[None, :]),
        dtype=jnp.float32,
    )
    return {
        "arch": arch,
        "node_hidden": node_hidden,
        "op_hidden": op_hidden,
        "emb_attn_w": emb_attn_w,
        "emb_attn_b": emb_attn_b,
        "gc1_w": gc1_w,
        "gc1_b": gc1_b,
        "gc2_w": gc2_w,
        "gc2_b": gc2_b,
        "fc_w": fc_w,
        "fc_b": fc_b,
        "trans_mask": trans_mask,
    }


def reference(arch, node_hidden, op_hidden, emb_attn_w, emb_attn_b,
              gc1_w, gc1_b, gc2_w, gc2_b, fc_w, fc_b, trans_mask):
    n_edges = arch.shape[0]
    steps = n_edges // 2
    n_nodes = steps + 2
    ops = arch[:, 0]
    f_nodes = arch[:, 1] % n_nodes
    t_nodes = arch[:, 2] % n_nodes
    # embedding lookups (gather)
    op0 = ops[0::2]
    op1 = ops[1::2]
    x_op0 = jnp.take(op_hidden, op0, axis=0)
    x_op1 = jnp.take(op_hidden, op1, axis=0)
    x_op = jnp.concatenate([x_op0, x_op1], axis=1)   # [steps, 2*edge_hid]
    x_hidden = jnp.concatenate([node_hidden, x_op], axis=0)  # [steps+2, 2*edge_hid]
    x = x_hidden @ emb_attn_w + emb_attn_b           # [steps+2, nfeat]
    # utils.parse_arch -> adjacency, built via scatter
    adj = jnp.zeros((n_nodes, n_nodes), dtype=x.dtype).at[t_nodes, f_nodes].set(1.0)
    # GraphConvolution: adj @ (x @ W) + b
    h = jax.nn.relu(adj @ (x @ gc1_w) + gc1_b)
    # dropout is identity in eval mode
    h = adj @ (h @ gc2_w) + gc2_b
    h = h[2:]
    logits = (h @ fc_w + fc_b).reshape(steps * 2, -1)  # [2*steps, num_ops]
    # BinarySoftmax with per-edge transition mask V
    V = jnp.take(trans_mask, ops, axis=0)              # [2*steps, num_ops]
    z = logits - jnp.max(logits, axis=-1, keepdims=True)
    e = jnp.exp(z) * V
    prob = e / jnp.sum(e, axis=-1, keepdims=True)
    log_prob = jnp.log(jnp.clip(prob, 1e-5, 1.0 - 1e-5))
    entropy = -(log_prob * prob).sum()
    # multinomial sampling per edge (masked categorical)
    skey = jax.random.key(42)
    samp_logits = jnp.where(V > 0, jnp.log(jnp.clip(prob, 1e-12, 1.0)), -1e9)
    f_op = jax.random.categorical(skey, samp_logits, axis=-1)  # [2*steps]
    selected_log_p = jnp.take_along_axis(log_prob, f_op[:, None], axis=-1)
    log_p = selected_log_p.sum()
    prob_mat = prob.T  # [num_ops, 2*steps]
    new_arch = jnp.stack([f_op, arch[:, 1], arch[:, 2]], axis=1)
    return (new_arch, log_p, entropy, prob_mat)

if __name__ == "__main__":
    import jax
    _d = setup_inputs()
    print(jax.jit(kernel)(*tuple(_d.values())))

</pallas_src>

<mosaic_0001>
#map = affine_map<(d0, d1) -> (0)>
#map1 = affine_map<(d0, d1) -> (0, 0)>
module attributes {stable_mosaic.version = 14 : i64} {
  func.func @_sc_body(%arg0: i32, %arg1: i32, %arg2: memref<48xi32, #tpu.memory_space<hbm>>, %arg3: memref<8x512xf32, #tpu.memory_space<hbm>>, %arg4: memref<2x1024xf32, #tpu.memory_space<hbm>>, %arg5: memref<128xf32, #tpu.memory_space<hbm>>, %arg6: memref<8x1024xf32, #tpu.memory_space<hbm>>, %arg7: memref<64xf32, #tpu.memory_space<hbm>>, %arg8: memref<48xi32, #tpu.memory_space<vmem>>, %arg9: memref<128xf32, #tpu.memory_space<vmem>>, %arg10: memref<128xf32, #tpu.memory_space<vmem>>) attributes {dimension_semantics = [#tpu.dimension_semantics<core_parallel>, #tpu.dimension_semantics<subcore_parallel>], iteration_bounds = array<i64: 1, 1>, scalar_prefetch = 0 : i64, scratch_operands = 3 : i64, tpu.core_type = #tpu.core_type<sc_vector_subcore>, window_params = [{transform_indices = #map}, {transform_indices = #map1}, {transform_indices = #map1}, {transform_indices = #map}, {transform_indices = #map1}, {transform_indices = #map}]} {
    "tpu.region"() ({
      %run_scoped3A_113 = tpu.sem_alloc : memref<!tpu.dma_semaphore, #tpu.memory_space<semaphore_mem>>
      tpu.enqueue_dma source(%arg2 : memref<48xi32, #tpu.memory_space<hbm>>) target(%arg8 : memref<48xi32, #tpu.memory_space<vmem>>) target_semaphore(%run_scoped3A_113 : memref<!tpu.dma_semaphore, #tpu.memory_space<semaphore_mem>>)
      tpu.wait_dma2 semaphore(%run_scoped3A_113 : memref<!tpu.dma_semaphore, #tpu.memory_space<semaphore_mem>>) src(%arg2 : memref<48xi32, #tpu.memory_space<hbm>>) dst(%arg8 : memref<48xi32, #tpu.memory_space<vmem>>)
      tpu.yield
    }) : () -> ()
    "tpu.region"() ({
      %run_scoped3A_113 = tpu.sem_alloc : memref<!tpu.dma_semaphore, #tpu.memory_space<semaphore_mem>>
      tpu.enqueue_dma source(%arg5 : memref<128xf32, #tpu.memory_space<hbm>>) target(%arg10 : memref<128xf32, #tpu.memory_space<vmem>>) target_semaphore(%run_scoped3A_113 : memref<!tpu.dma_semaphore, #tpu.memory_space<semaphore_mem>>)
      tpu.wait_dma2 semaphore(%run_scoped3A_113 : memref<!tpu.dma_semaphore, #tpu.memory_space<semaphore_mem>>) src(%arg5 : memref<128xf32, #tpu.memory_space<hbm>>) dst(%arg10 : memref<128xf32, #tpu.memory_space<vmem>>)
      tpu.yield
    }) : () -> ()
    %get3A = arith.constant 0 : index
    %get3A_0 = tpu.vector_load %arg8[%get3A] {strides = array<i32>} : memref<48xi32, #tpu.memory_space<vmem>>, vector<16xi32>,
    %get3A_1 = vector.shape_cast %get3A_0 : vector<16xi32> to vector<16xi32>
    "tpu.region"() ({
      %run_scoped3A_113 = tpu.sem_alloc : memref<!tpu.dma_semaphore, #tpu.memory_space<semaphore_mem>>
      %dma_start3A = arith.constant 0 : i32
      %dma_start3A_114 = arith.constant 0 : i32
      %dma_start3A_115 = tpu.memref_slice %arg6[%dma_start3A, %dma_start3A_114] : memref<8x1024xf32, #tpu.memory_space<hbm>> -> memref<2x1024xf32, #tpu.memory_space<hbm>>
      tpu.enqueue_dma source(%arg4 : memref<2x1024xf32, #tpu.memory_space<hbm>>) target(%dma_start3A_115 : memref<2x1024xf32, #tpu.memory_space<hbm>>) target_semaphore(%run_scoped3A_113 : memref<!tpu.dma_semaphore, #tpu.memory_space<semaphore_mem>>)
      %dma_wait3A = arith.constant 0 : i32
      %dma_wait3A_116 = arith.constant 0 : i32
      %dma_wait3A_117 = tpu.memref_slice %arg6[%dma_wait3A, %dma_wait3A_116] : memref<8x1024xf32, #tpu.memory_space<hbm>> -> memref<2x1024xf32, #tpu.memory_space<hbm>>
      tpu.wait_dma2 semaphore(%run_scoped3A_113 : memref<!tpu.dma_semaphore, #tpu.memory_space<semaphore_mem>>) src(%arg4 : memref<2x1024xf32, #tpu.memory_space<hbm>>) dst(%dma_wait3A_117 : memref<2x1024xf32, #tpu.memory_space<hbm>>)
      tpu.yield
    }) : () -> ()
    %slice3A = vector.extract_strided_slice %get3A_1 {offsets = [0], sizes = [1], strides = [1]} : vector<16xi32> to vector<1xi32>
    %squeeze3A = vector.extract %slice3A[0] : i32 from vector<1xi32>
    %run_scoped3A = arith.constant 2 : i32
    "tpu.region"() ({
      %run_scoped3A_113 = tpu.sem_alloc : memref<!tpu.dma_semaphore, #tpu.memory_space<semaphore_mem>>
      %dma_start3A = arith.constant 0 : i32
      %dma_start3A_114 = tpu.memref_slice %arg6[%run_scoped3A, %dma_start3A] : memref<8x1024xf32, #tpu.memory_space<hbm>> -> memref<1x512xf32, #tpu.memory_space<hbm>>
      %dma_start3A_115 = tpu.memref_squeeze %dma_start3A_114 : memref<1x512xf32, #tpu.memory_space<hbm>> -> memref<512xf32, #tpu.memory_space<hbm>>
      %dma_start3A_116 = arith.constant 0 : i32
      %dma_start3A_117 = tpu.memref_slice %arg3[%squeeze3A, %dma_start3A_116] : memref<8x512xf32, #tpu.memory_space<hbm>> -> memref<1x512xf32, #tpu.memory_space<hbm>>
      %dma_start3A_118 = tpu.memref_squeeze %dma_start3A_117 : memref<1x512xf32, #tpu.memory_space<hbm>> -> memref<512xf32, #tpu.memory_space<hbm>>
      tpu.enqueue_dma source(%dma_start3A_118 : memref<512xf32, #tpu.memory_space<hbm>>) target(%dma_start3A_115 : memref<512xf32, #tpu.memory_space<hbm>>) target_semaphore(%run_scoped3A_113 : memref<!tpu.dma_semaphore, #tpu.memory_space<semaphore_mem>>)
      %dma_wait3A = arith.constant 0 : i32
      %dma_wait3A_119 = tpu.memref_slice %arg6[%run_scoped3A, %dma_wait3A] : memref<8x1024xf32, #tpu.memory_space<hbm>> -> memref<1x512xf32, #tpu.memory_space<hbm>>
      %dma_wait3A_120 = tpu.memref_squeeze %dma_wait3A_119 : memref<1x512xf32, #tpu.memory_space<hbm>> -> memref<512xf32, #tpu.memory_space<hbm>>
      %dma_wait3A_121 = arith.constant 0 : i32
      %dma_wait3A_122 = tpu.memref_slice %arg3[%squeeze3A, %dma_wait3A_121] : memref<8x512xf32, #tpu.memory_space<hbm>> -> memref<1x512xf32, #tpu.memory_space<hbm>>
      %dma_wait3A_123 = tpu.memref_squeeze %dma_wait3A_122 : memref<1x512xf32, #tpu.memory_space<hbm>> -> memref<512xf32, #tpu.memory_space<hbm>>
      tpu.wait_dma2 semaphore(%run_scoped3A_113 : memref<!tpu.dma_semaphore, #tpu.memory_space<semaphore_mem>>) src(%dma_wait3A_123 : memref<512xf32, #tpu.memory_space<hbm>>) dst(%dma_wait3A_120 : memref<512xf32, #tpu.memory_space<hbm>>)
      tpu.yield
    }) : () -> ()
    %slice3A_2 = vector.extract_strided_slice %get3A_1 {offsets = [1], sizes = [1], strides = [1]} : vector<16xi32> to vector<1xi32>
    %squeeze3A_3 = vector.extract %slice3A_2[0] : i32 from vector<1xi32>
    %run_scoped3A_4 = arith.constant 2 : i32
    "tpu.region"() ({
      %run_scoped3A_113 = tpu.sem_alloc : memref<!tpu.dma_semaphore, #tpu.memory_space<semaphore_mem>>
      %dma_start3A = arith.constant 512 : i32
      %dma_start3A_114 = tpu.memref_slice %arg6[%run_scoped3A_4, %dma_start3A] : memref<8x1024xf32, #tpu.memory_space<hbm>> -> memref<1x512xf32, #tpu.memory_space<hbm>>
      %dma_start3A_115 = tpu.memref_squeeze %dma_start3A_114 : memref<1x512xf32, #tpu.memory_space<hbm>> -> memref<512xf32, #tpu.memory_space<hbm>>
      %dma_start3A_116 = arith.constant 0 : i32
      %dma_start3A_117 = tpu.memref_slice %arg3[%squeeze3A_3, %dma_start3A_116] : memref<8x512xf32, #tpu.memory_space<hbm>> -> memref<1x512xf32, #tpu.memory_space<hbm>>
      %dma_start3A_118 = tpu.memref_squeeze %dma_start3A_117 : memref<1x512xf32, #tpu.memory_space<hbm>> -> memref<512xf32, #tpu.memory_space<hbm>>
      tpu.enqueue_dma source(%dma_start3A_118 : memref<512xf32, #tpu.memory_space<hbm>>) target(%dma_start3A_115 : memref<512xf32, #tpu.memory_space<hbm>>) target_semaphore(%run_scoped3A_113 : memref<!tpu.dma_semaphore, #tpu.memory_space<semaphore_mem>>)
      %dma_wait3A = arith.constant 512 : i32
      %dma_wait3A_119 = tpu.memref_slice %arg6[%run_scoped3A_4, %dma_wait3A] : memref<8x1024xf32, #tpu.memory_space<hbm>> -> memref<1x512xf32, #tpu.memory_space<hbm>>
      %dma_wait3A_120 = tpu.memref_squeeze %dma_wait3A_119 : memref<1x512xf32, #tpu.memory_space<hbm>> -> memref<512xf32, #tpu.memory_space<hbm>>
      %dma_wait3A_121 = arith.constant 0 : i32
      %dma_wait3A_122 = tpu.memref_slice %arg3[%squeeze3A_3, %dma_wait3A_121] : memref<8x512xf32, #tpu.memory_space<hbm>> -> memref<1x512xf32, #tpu.memory_space<hbm>>
      %dma_wait3A_123 = tpu.memref_squeeze %dma_wait3A_122 : memref<1x512xf32, #tpu.memory_space<hbm>> -> memref<512xf32, #tpu.memory_space<hbm>>
      tpu.wait_dma2 semaphore(%run_scoped3A_113 : memref<!tpu.dma_semaphore, #tpu.memory_space<semaphore_mem>>) src(%dma_wait3A_123 : memref<512xf32, #tpu.memory_space<hbm>>) dst(%dma_wait3A_120 : memref<512xf32, #tpu.memory_space<hbm>>)
      tpu.yield
    }) : () -> ()
    %slice3A_5 = vector.extract_strided_slice %get3A_1 {offsets = [2], sizes = [1], strides = [1]} : vector<16xi32> to vector<1xi32>
    %squeeze3A_6 = vector.extract %slice3A_5[0] : i32 from vector<1xi32>
    %run_scoped3A_7 = arith.constant 3 : i32
    "tpu.region"() ({
      %run_scoped3A_113 = tpu.sem_alloc : memref<!tpu.dma_semaphore, #tpu.memory_space<semaphore_mem>>
      %dma_start3A = arith.constant 0 : i32
      %dma_start3A_114 = tpu.memref_slice %arg6[%run_scoped3A_7, %dma_start3A] : memref<8x1024xf32, #tpu.memory_space<hbm>> -> memref<1x512xf32, #tpu.memory_space<hbm>>
      %dma_start3A_115 = tpu.memref_squeeze %dma_start3A_114 : memref<1x512xf32, #tpu.memory_space<hbm>> -> memref<512xf32, #tpu.memory_space<hbm>>
      %dma_start3A_116 = arith.constant 0 : i32
      %dma_start3A_117 = tpu.memref_slice %arg3[%squeeze3A_6, %dma_start3A_116] : memref<8x512xf32, #tpu.memory_space<hbm>> -> memref<1x512xf32, #tpu.memory_space<hbm>>
      %dma_start3A_118 = tpu.memref_squeeze %dma_start3A_117 : memref<1x512xf32, #tpu.memory_space<hbm>> -> memref<512xf32, #tpu.memory_space<hbm>>
      tpu.enqueue_dma source(%dma_start3A_118 : memref<512xf32, #tpu.memory_space<hbm>>) target(%dma_start3A_115 : memref<512xf32, #tpu.memory_space<hbm>>) target_semaphore(%run_scoped3A_113 : memref<!tpu.dma_semaphore, #tpu.memory_space<semaphore_mem>>)
      %dma_wait3A = arith.constant 0 : i32
      %dma_wait3A_119 = tpu.memref_slice %arg6[%run_scoped3A_7, %dma_wait3A] : memref<8x1024xf32, #tpu.memory_space<hbm>> -> memref<1x512xf32, #tpu.memory_space<hbm>>
      %dma_wait3A_120 = tpu.memref_squeeze %dma_wait3A_119 : memref<1x512xf32, #tpu.memory_space<hbm>> -> memref<512xf32, #tpu.memory_space<hbm>>
      %dma_wait3A_121 = arith.constant 0 : i32
      %dma_wait3A_122 = tpu.memref_slice %arg3[%squeeze3A_6, %dma_wait3A_121] : memref<8x512xf32, #tpu.memory_space<hbm>> -> memref<1x512xf32, #tpu.memory_space<hbm>>
      %dma_wait3A_123 = tpu.memref_squeeze %dma_wait3A_122 : memref<1x512xf32, #tpu.memory_space<hbm>> -> memref<512xf32, #tpu.memory_space<hbm>>
      tpu.wait_dma2 semaphore(%run_scoped3A_113 : memref<!tpu.dma_semaphore, #tpu.memory_space<semaphore_mem>>) src(%dma_wait3A_123 : memref<512xf32, #tpu.memory_space<hbm>>) dst(%dma_wait3A_120 : memref<512xf32, #tpu.memory_space<hbm>>)
      tpu.yield
    }) : () -> ()
    %slice3A_8 = vector.extract_strided_slice %get3A_1 {offsets = [3], sizes = [1], strides = [1]} : vector<16xi32> to vector<1xi32>
    %squeeze3A_9 = vector.extract %slice3A_8[0] : i32 from vector<1xi32>
    %run_scoped3A_10 = arith.constant 3 : i32
    "tpu.region"() ({
      %run_scoped3A_113 = tpu.sem_alloc : memref<!tpu.dma_semaphore, #tpu.memory_space<semaphore_mem>>
      %dma_start3A = arith.constant 512 : i32
      %dma_start3A_114 = tpu.memref_slice %arg6[%run_scoped3A_10, %dma_start3A] : memref<8x1024xf32, #tpu.memory_space<hbm>> -> memref<1x512xf32, #tpu.memory_space<hbm>>
      %dma_start3A_115 = tpu.memref_squeeze %dma_start3A_114 : memref<1x512xf32, #tpu.memory_space<hbm>> -> memref<512xf32, #tpu.memory_space<hbm>>
      %dma_start3A_116 = arith.constant 0 : i32
      %dma_start3A_117 = tpu.memref_slice %arg3[%squeeze3A_9, %dma_start3A_116] : memref<8x512xf32, #tpu.memory_space<hbm>> -> memref<1x512xf32, #tpu.memory_space<hbm>>
      %dma_start3A_118 = tpu.memref_squeeze %dma_start3A_117 : memref<1x512xf32, #tpu.memory_space<hbm>> -> memref<512xf32, #tpu.memory_space<hbm>>
      tpu.enqueue_dma source(%dma_start3A_118 : memref<512xf32, #tpu.memory_space<hbm>>) target(%dma_start3A_115 : memref<512xf32, #tpu.memory_space<hbm>>) target_semaphore(%run_scoped3A_113 : memref<!tpu.dma_semaphore, #tpu.memory_space<semaphore_mem>>)
      %dma_wait3A = arith.constant 512 : i32
      %dma_wait3A_119 = tpu.memref_slice %arg6[%run_scoped3A_10, %dma_wait3A] : memref<8x1024xf32, #tpu.memory_space<hbm>> -> memref<1x512xf32, #tpu.memory_space<hbm>>
      %dma_wait3A_120 = tpu.memref_squeeze %dma_wait3A_119 : memref<1x512xf32, #tpu.memory_space<hbm>> -> memref<512xf32, #tpu.memory_space<hbm>>
      %dma_wait3A_121 = arith.constant 0 : i32
      %dma_wait3A_122 = tpu.memref_slice %arg3[%squeeze3A_9, %dma_wait3A_121] : memref<8x512xf32, #tpu.memory_space<hbm>> -> memref<1x512xf32, #tpu.memory_space<hbm>>
      %dma_wait3A_123 = tpu.memref_squeeze %dma_wait3A_122 : memref<1x512xf32, #tpu.memory_space<hbm>> -> memref<512xf32, #tpu.memory_space<hbm>>
      tpu.wait_dma2 semaphore(%run_scoped3A_113 : memref<!tpu.dma_semaphore, #tpu.memory_space<semaphore_mem>>) src(%dma_wait3A_123 : memref<512xf32, #tpu.memory_space<hbm>>) dst(%dma_wait3A_120 : memref<512xf32, #tpu.memory_space<hbm>>)
      tpu.yield
    }) : () -> ()
    %slice3A_11 = vector.extract_strided_slice %get3A_1 {offsets = [4], sizes = [1], strides = [1]} : vector<16xi32> to vector<1xi32>
    %squeeze3A_12 = vector.extract %slice3A_11[0] : i32 from vector<1xi32>
    %run_scoped3A_13 = arith.constant 4 : i32
    "tpu.region"() ({
      %run_scoped3A_113 = tpu.sem_alloc : memref<!tpu.dma_semaphore, #tpu.memory_space<semaphore_mem>>
      %dma_start3A = arith.constant 0 : i32
      %dma_start3A_114 = tpu.memref_slice %arg6[%run_scoped3A_13, %dma_start3A] : memref<8x1024xf32, #tpu.memory_space<hbm>> -> memref<1x512xf32, #tpu.memory_space<hbm>>
      %dma_start3A_115 = tpu.memref_squeeze %dma_start3A_114 : memref<1x512xf32, #tpu.memory_space<hbm>> -> memref<512xf32, #tpu.memory_space<hbm>>
      %dma_start3A_116 = arith.constant 0 : i32
      %dma_start3A_117 = tpu.memref_slice %arg3[%squeeze3A_12, %dma_start3A_116] : memref<8x512xf32, #tpu.memory_space<hbm>> -> memref<1x512xf32, #tpu.memory_space<hbm>>
      %dma_start3A_118 = tpu.memref_squeeze %dma_start3A_117 : memref<1x512xf32, #tpu.memory_space<hbm>> -> memref<512xf32, #tpu.memory_space<hbm>>
      tpu.enqueue_dma source(%dma_start3A_118 : memref<512xf32, #tpu.memory_space<hbm>>) target(%dma_start3A_115 : memref<512xf32, #tpu.memory_space<hbm>>) target_semaphore(%run_scoped3A_113 : memref<!tpu.dma_semaphore, #tpu.memory_space<semaphore_mem>>)
      %dma_wait3A = arith.constant 0 : i32
      %dma_wait3A_119 = tpu.memref_slice %arg6[%run_scoped3A_13, %dma_wait3A] : memref<8x1024xf32, #tpu.memory_space<hbm>> -> memref<1x512xf32, #tpu.memory_space<hbm>>
      %dma_wait3A_120 = tpu.memref_squeeze %dma_wait3A_119 : memref<1x512xf32, #tpu.memory_space<hbm>> -> memref<512xf32, #tpu.memory_space<hbm>>
      %dma_wait3A_121 = arith.constant 0 : i32
      %dma_wait3A_122 = tpu.memref_slice %arg3[%squeeze3A_12, %dma_wait3A_121] : memref<8x512xf32, #tpu.memory_space<hbm>> -> memref<1x512xf32, #tpu.memory_space<hbm>>
      %dma_wait3A_123 = tpu.memref_squeeze %dma_wait3A_122 : memref<1x512xf32, #tpu.memory_space<hbm>> -> memref<512xf32, #tpu.memory_space<hbm>>
      tpu.wait_dma2 semaphore(%run_scoped3A_113 : memref<!tpu.dma_semaphore, #tpu.memory_space<semaphore_mem>>) src(%dma_wait3A_123 : memref<512xf32, #tpu.memory_space<hbm>>) dst(%dma_wait3A_120 : memref<512xf32, #tpu.memory_space<hbm>>)
      tpu.yield
    }) : () -> ()
    %slice3A_14 = vector.extract_strided_slice %get3A_1 {offsets = [5], sizes = [1], strides = [1]} : vector<16xi32> to vector<1xi32>
    %squeeze3A_15 = vector.extract %slice3A_14[0] : i32 from vector<1xi32>
    %run_scoped3A_16 = arith.constant 4 : i32
    "tpu.region"() ({
      %run_scoped3A_113 = tpu.sem_alloc : memref<!tpu.dma_semaphore, #tpu.memory_space<semaphore_mem>>
      %dma_start3A = arith.constant 512 : i32
      %dma_start3A_114 = tpu.memref_slice %arg6[%run_scoped3A_16, %dma_start3A] : memref<8x1024xf32, #tpu.memory_space<hbm>> -> memref<1x512xf32, #tpu.memory_space<hbm>>
      %dma_start3A_115 = tpu.memref_squeeze %dma_start3A_114 : memref<1x512xf32, #tpu.memory_space<hbm>> -> memref<512xf32, #tpu.memory_space<hbm>>
      %dma_start3A_116 = arith.constant 0 : i32
      %dma_start3A_117 = tpu.memref_slice %arg3[%squeeze3A_15, %dma_start3A_116] : memref<8x512xf32, #tpu.memory_space<hbm>> -> memref<1x512xf32, #tpu.memory_space<hbm>>
      %dma_start3A_118 = tpu.memref_squeeze %dma_start3A_117 : memref<1x512xf32, #tpu.memory_space<hbm>> -> memref<512xf32, #tpu.memory_space<hbm>>
      tpu.enqueue_dma source(%dma_start3A_118 : memref<512xf32, #tpu.memory_space<hbm>>) target(%dma_start3A_115 : memref<512xf32, #tpu.memory_space<hbm>>) target_semaphore(%run_scoped3A_113 : memref<!tpu.dma_semaphore, #tpu.memory_space<semaphore_mem>>)
      %dma_wait3A = arith.constant 512 : i32
      %dma_wait3A_119 = tpu.memref_slice %arg6[%run_scoped3A_16, %dma_wait3A] : memref<8x1024xf32, #tpu.memory_space<hbm>> -> memref<1x512xf32, #tpu.memory_space<hbm>>
      %dma_wait3A_120 = tpu.memref_squeeze %dma_wait3A_119 : memref<1x512xf32, #tpu.memory_space<hbm>> -> memref<512xf32, #tpu.memory_space<hbm>>
      %dma_wait3A_121 = arith.constant 0 : i32
      %dma_wait3A_122 = tpu.memref_slice %arg3[%squeeze3A_15, %dma_wait3A_121] : memref<8x512xf32, #tpu.memory_space<hbm>> -> memref<1x512xf32, #tpu.memory_space<hbm>>
      %dma_wait3A_123 = tpu.memref_squeeze %dma_wait3A_122 : memref<1x512xf32, #tpu.memory_space<hbm>> -> memref<512xf32, #tpu.memory_space<hbm>>
      tpu.wait_dma2 semaphore(%run_scoped3A_113 : memref<!tpu.dma_semaphore, #tpu.memory_space<semaphore_mem>>) src(%dma_wait3A_123 : memref<512xf32, #tpu.memory_space<hbm>>) dst(%dma_wait3A_120 : memref<512xf32, #tpu.memory_space<hbm>>)
      tpu.yield
    }) : () -> ()
    %slice3A_17 = vector.extract_strided_slice %get3A_1 {offsets = [6], sizes = [1], strides = [1]} : vector<16xi32> to vector<1xi32>
    %squeeze3A_18 = vector.extract %slice3A_17[0] : i32 from vector<1xi32>
    %run_scoped3A_19 = arith.constant 5 : i32
    "tpu.region"() ({
      %run_scoped3A_113 = tpu.sem_alloc : memref<!tpu.dma_semaphore, #tpu.memory_space<semaphore_mem>>
      %dma_start3A = arith.constant 0 : i32
      %dma_start3A_114 = tpu.memref_slice %arg6[%run_scoped3A_19, %dma_start3A] : memref<8x1024xf32, #tpu.memory_space<hbm>> -> memref<1x512xf32, #tpu.memory_space<hbm>>
      %dma_start3A_115 = tpu.memref_squeeze %dma_start3A_114 : memref<1x512xf32, #tpu.memory_space<hbm>> -> memref<512xf32, #tpu.memory_space<hbm>>
      %dma_start3A_116 = arith.constant 0 : i32
      %dma_start3A_117 = tpu.memref_slice %arg3[%squeeze3A_18, %dma_start3A_116] : memref<8x512xf32, #tpu.memory_space<hbm>> -> memref<1x512xf32, #tpu.memory_space<hbm>>
      %dma_start3A_118 = tpu.memref_squeeze %dma_start3A_117 : memref<1x512xf32, #tpu.memory_space<hbm>> -> memref<512xf32, #tpu.memory_space<hbm>>
      tpu.enqueue_dma source(%dma_start3A_118 : memref<512xf32, #tpu.memory_space<hbm>>) target(%dma_start3A_115 : memref<512xf32, #tpu.memory_space<hbm>>) target_semaphore(%run_scoped3A_113 : memref<!tpu.dma_semaphore, #tpu.memory_space<semaphore_mem>>)
      %dma_wait3A = arith.constant 0 : i32
      %dma_wait3A_119 = tpu.memref_slice %arg6[%run_scoped3A_19, %dma_wait3A] : memref<8x1024xf32, #tpu.memory_space<hbm>> -> memref<1x512xf32, #tpu.memory_space<hbm>>
      %dma_wait3A_120 = tpu.memref_squeeze %dma_wait3A_119 : memref<1x512xf32, #tpu.memory_space<hbm>> -> memref<512xf32, #tpu.memory_space<hbm>>
      %dma_wait3A_121 = arith.constant 0 : i32
      %dma_wait3A_122 = tpu.memref_slice %arg3[%squeeze3A_18, %dma_wait3A_121] : memref<8x512xf32, #tpu.memory_space<hbm>> -> memref<1x512xf32, #tpu.memory_space<hbm>>
      %dma_wait3A_123 = tpu.memref_squeeze %dma_wait3A_122 : memref<1x512xf32, #tpu.memory_space<hbm>> -> memref<512xf32, #tpu.memory_space<hbm>>
      tpu.wait_dma2 semaphore(%run_scoped3A_113 : memref<!tpu.dma_semaphore, #tpu.memory_space<semaphore_mem>>) src(%dma_wait3A_123 : memref<512xf32, #tpu.memory_space<hbm>>) dst(%dma_wait3A_120 : memref<512xf32, #tpu.memory_space<hbm>>)
      tpu.yield
    }) : () -> ()
    %slice3A_20 = vector.extract_strided_slice %get3A_1 {offsets = [7], sizes = [1], strides = [1]} : vector<16xi32> to vector<1xi32>
    %squeeze3A_21 = vector.extract %slice3A_20[0] : i32 from vector<1xi32>
    %run_scoped3A_22 = arith.constant 5 : i32
    "tpu.region"() ({
      %run_scoped3A_113 = tpu.sem_alloc : memref<!tpu.dma_semaphore, #tpu.memory_space<semaphore_mem>>
      %dma_start3A = arith.constant 512 : i32
      %dma_start3A_114 = tpu.memref_slice %arg6[%run_scoped3A_22, %dma_start3A] : memref<8x1024xf32, #tpu.memory_space<hbm>> -> memref<1x512xf32, #tpu.memory_space<hbm>>
      %dma_start3A_115 = tpu.memref_squeeze %dma_start3A_114 : memref<1x512xf32, #tpu.memory_space<hbm>> -> memref<512xf32, #tpu.memory_space<hbm>>
      %dma_start3A_116 = arith.constant 0 : i32
      %dma_start3A_117 = tpu.memref_slice %arg3[%squeeze3A_21, %dma_start3A_116] : memref<8x512xf32, #tpu.memory_space<hbm>> -> memref<1x512xf32, #tpu.memory_space<hbm>>
      %dma_start3A_118 = tpu.memref_squeeze %dma_start3A_117 : memref<1x512xf32, #tpu.memory_space<hbm>> -> memref<512xf32, #tpu.memory_space<hbm>>
      tpu.enqueue_dma source(%dma_start3A_118 : memref<512xf32, #tpu.memory_space<hbm>>) target(%dma_start3A_115 : memref<512xf32, #tpu.memory_space<hbm>>) target_semaphore(%run_scoped3A_113 : memref<!tpu.dma_semaphore, #tpu.memory_space<semaphore_mem>>)
      %dma_wait3A = arith.constant 512 : i32
      %dma_wait3A_119 = tpu.memref_slice %arg6[%run_scoped3A_22, %dma_wait3A] : memref<8x1024xf32, #tpu.memory_space<hbm>> -> memref<1x512xf32, #tpu.memory_space<hbm>>
      %dma_wait3A_120 = tpu.memref_squeeze %dma_wait3A_119 : memref<1x512xf32, #tpu.memory_space<hbm>> -> memref<512xf32, #tpu.memory_space<hbm>>
      %dma_wait3A_121 = arith.constant 0 : i32
      %dma_wait3A_122 = tpu.memref_slice %arg3[%squeeze3A_21, %dma_wait3A_121] : memref<8x512xf32, #tpu.memory_space<hbm>> -> memref<1x512xf32, #tpu.memory_space<hbm>>
      %dma_wait3A_123 = tpu.memref_squeeze %dma_wait3A_122 : memref<1x512xf32, #tpu.memory_space<hbm>> -> memref<512xf32, #tpu.memory_space<hbm>>
      tpu.wait_dma2 semaphore(%run_scoped3A_113 : memref<!tpu.dma_semaphore, #tpu.memory_space<semaphore_mem>>) src(%dma_wait3A_123 : memref<512xf32, #tpu.memory_space<hbm>>) dst(%dma_wait3A_120 : memref<512xf32, #tpu.memory_space<hbm>>)
      tpu.yield
    }) : () -> ()
    %run_scoped3A_23 = arith.constant 0 : i32
    %run_scoped3A_24 = arith.constant 6 : i32
    "tpu.region"() ({
      %run_scoped3A_113 = tpu.sem_alloc : memref<!tpu.dma_semaphore, #tpu.memory_space<semaphore_mem>>
      %dma_start3A = arith.constant 0 : i32
      %dma_start3A_114 = tpu.memref_slice %arg6[%run_scoped3A_24, %dma_start3A] : memref<8x1024xf32, #tpu.memory_space<hbm>> -> memref<1x1024xf32, #tpu.memory_space<hbm>>
      %dma_start3A_115 = tpu.memref_squeeze %dma_start3A_114 : memref<1x1024xf32, #tpu.memory_space<hbm>> -> memref<1024xf32, #tpu.memory_space<hbm>>
      %dma_start3A_116 = arith.constant 0 : i32
      %dma_start3A_117 = tpu.memref_slice %arg4[%run_scoped3A_23, %dma_start3A_116] : memref<2x1024xf32, #tpu.memory_space<hbm>> -> memref<1x1024xf32, #tpu.memory_space<hbm>>
      %dma_start3A_118 = tpu.memref_squeeze %dma_start3A_117 : memref<1x1024xf32, #tpu.memory_space<hbm>> -> memref<1024xf32, #tpu.memory_space<hbm>>
      tpu.enqueue_dma source(%dma_start3A_118 : memref<1024xf32, #tpu.memory_space<hbm>>) target(%dma_start3A_115 : memref<1024xf32, #tpu.memory_space<hbm>>) target_semaphore(%run_scoped3A_113 : memref<!tpu.dma_semaphore, #tpu.memory_space<semaphore_mem>>)
      %dma_wait3A = arith.constant 0 : i32
      %dma_wait3A_119 = tpu.memref_slice %arg6[%run_scoped3A_24, %dma_wait3A] : memref<8x1024xf32, #tpu.memory_space<hbm>> -> memref<1x1024xf32, #tpu.memory_space<hbm>>
      %dma_wait3A_120 = tpu.memref_squeeze %dma_wait3A_119 : memref<1x1024xf32, #tpu.memory_space<hbm>> -> memref<1024xf32, #tpu.memory_space<hbm>>
      %dma_wait3A_121 = arith.constant 0 : i32
      %dma_wait3A_122 = tpu.memref_slice %arg4[%run_scoped3A_23, %dma_wait3A_121] : memref<2x1024xf32, #tpu.memory_space<hbm>> -> memref<1x1024xf32, #tpu.memory_space<hbm>>
      %dma_wait3A_123 = tpu.memref_squeeze %dma_wait3A_122 : memref<1x1024xf32, #tpu.memory_space<hbm>> -> memref<1024xf32, #tpu.memory_space<hbm>>
      tpu.wait_dma2 semaphore(%run_scoped3A_113 : memref<!tpu.dma_semaphore, #tpu.memory_space<semaphore_mem>>) src(%dma_wait3A_123 : memref<1024xf32, #tpu.memory_space<hbm>>) dst(%dma_wait3A_120 : memref<1024xf32, #tpu.memory_space<hbm>>)
      tpu.yield
    }) : () -> ()
    %run_scoped3A_25 = arith.constant 0 : i32
    %run_scoped3A_26 = arith.constant 7 : i32
    "tpu.region"() ({
      %run_scoped3A_113 = tpu.sem_alloc : memref<!tpu.dma_semaphore, #tpu.memory_space<semaphore_mem>>
      %dma_start3A = arith.constant 0 : i32
      %dma_start3A_114 = tpu.memref_slice %arg6[%run_scoped3A_26, %dma_start3A] : memref<8x1024xf32, #tpu.memory_space<hbm>> -> memref<1x1024xf32, #tpu.memory_space<hbm>>
      %dma_start3A_115 = tpu.memref_squeeze %dma_start3A_114 : memref<1x1024xf32, #tpu.memory_space<hbm>> -> memref<1024xf32, #tpu.memory_space<hbm>>
      %dma_start3A_116 = arith.constant 0 : i32
      %dma_start3A_117 = tpu.memref_slice %arg4[%run_scoped3A_25, %dma_start3A_116] : memref<2x1024xf32, #tpu.memory_space<hbm>> -> memref<1x1024xf32, #tpu.memory_space<hbm>>
      %dma_start3A_118 = tpu.memref_squeeze %dma_start3A_117 : memref<1x1024xf32, #tpu.memory_space<hbm>> -> memref<1024xf32, #tpu.memory_space<hbm>>
      tpu.enqueue_dma source(%dma_start3A_118 : memref<1024xf32, #tpu.memory_space<hbm>>) target(%dma_start3A_115 : memref<1024xf32, #tpu.memory_space<hbm>>) target_semaphore(%run_scoped3A_113 : memref<!tpu.dma_semaphore, #tpu.memory_space<semaphore_mem>>)
      %dma_wait3A = arith.constant 0 : i32
      %dma_wait3A_119 = tpu.memref_slice %arg6[%run_scoped3A_26, %dma_wait3A] : memref<8x1024xf32, #tpu.memory_space<hbm>> -> memref<1x1024xf32, #tpu.memory_space<hbm>>
      %dma_wait3A_120 = tpu.memref_squeeze %dma_wait3A_119 : memref<1x1024xf32, #tpu.memory_space<hbm>> -> memref<1024xf32, #tpu.memory_space<hbm>>
      %dma_wait3A_121 = arith.constant 0 : i32
      %dma_wait3A_122 = tpu.memref_slice %arg4[%run_scoped3A_25, %dma_wait3A_121] : memref<2x1024xf32, #tpu.memory_space<hbm>> -> memref<1x1024xf32, #tpu.memory_space<hbm>>
      %dma_wait3A_123 = tpu.memref_squeeze %dma_wait3A_122 : memref<1x1024xf32, #tpu.memory_space<hbm>> -> memref<1024xf32, #tpu.memory_space<hbm>>
      tpu.wait_dma2 semaphore(%run_scoped3A_113 : memref<!tpu.dma_semaphore, #tpu.memory_space<semaphore_mem>>) src(%dma_wait3A_123 : memref<1024xf32, #tpu.memory_space<hbm>>) dst(%dma_wait3A_120 : memref<1024xf32, #tpu.memory_space<hbm>>)
      tpu.yield
    }) : () -> ()
    %slice3A_27 = vector.extract_strided_slice %get3A_1 {offsets = [0], sizes = [1], strides = [1]} : vector<16xi32> to vector<1xi32>
    %squeeze3A_28 = vector.extract %slice3A_27[0] : i32 from vector<1xi32>
    %mul3A = arith.constant 8 : i32
    %mul3A_29 = arith.muli %squeeze3A_28, %mul3A : i32
    %get3A_30 = arith.index_cast %mul3A_29 : i32 to index
    %get3A_31 = tpu.vector_load %arg10[%get3A_30] {strides = array<i32>} : memref<128xf32, #tpu.memory_space<vmem>>, vector<16xf32>,
    %get3A_32 = vector.shape_cast %get3A_31 : vector<16xf32> to vector<16xf32>
    %swap3A = arith.constant 0 : index
    %swap3A_33 = tpu.vector_load %arg9[%swap3A] {strides = array<i32>} : memref<128xf32, #tpu.memory_space<vmem>>, vector<16xf32>,
    %swap3A_34 = vector.shape_cast %swap3A_33 : vector<16xf32> to vector<16xf32>
    %swap3A_35 = vector.shape_cast %get3A_32 : vector<16xf32> to vector<16xf32>
    tpu.vector_store %arg9[%swap3A], %swap3A_35 {strides = array<i32>} : memref<128xf32, #tpu.memory_space<vmem>>, vector<16xf32>,
    %slice3A_36 = vector.extract_strided_slice %get3A_1 {offsets = [1], sizes = [1], strides = [1]} : vector<16xi32> to vector<1xi32>
    %squeeze3A_37 = vector.extract %slice3A_36[0] : i32 from vector<1xi32>
    %mul3A_38 = arith.constant 8 : i32
    %mul3A_39 = arith.muli %squeeze3A_37, %mul3A_38 : i32
    %get3A_40 = arith.index_cast %mul3A_39 : i32 to index
    %get3A_41 = tpu.vector_load %arg10[%get3A_40] {strides = array<i32>} : memref<128xf32, #tpu.memory_space<vmem>>, vector<16xf32>,
    %get3A_42 = vector.shape_cast %get3A_41 : vector<16xf32> to vector<16xf32>
    %swap3A_43 = arith.constant 8 : index
    %swap3A_44 = tpu.vector_load %arg9[%swap3A_43] {strides = array<i32>} : memref<128xf32, #tpu.memory_space<vmem>>, vector<16xf32>,
    %swap3A_45 = vector.shape_cast %swap3A_44 : vector<16xf32> to vector<16xf32>
    %swap3A_46 = vector.shape_cast %get3A_42 : vector<16xf32> to vector<16xf32>
    tpu.vector_store %arg9[%swap3A_43], %swap3A_46 {strides = array<i32>} : memref<128xf32, #tpu.memory_space<vmem>>, vector<16xf32>,
    %slice3A_47 = vector.extract_strided_slice %get3A_1 {offsets = [2], sizes = [1], strides = [1]} : vector<16xi32> to vector<1xi32>
    %squeeze3A_48 = vector.extract %slice3A_47[0] : i32 from vector<1xi32>
    %mul3A_49 = arith.constant 8 : i32
    %mul3A_50 = arith.muli %squeeze3A_48, %mul3A_49 : i32
    %get3A_51 = arith.index_cast %mul3A_50 : i32 to index
    %get3A_52 = tpu.vector_load %arg10[%get3A_51] {strides = array<i32>} : memref<128xf32, #tpu.memory_space<vmem>>, vector<16xf32>,
    %get3A_53 = vector.shape_cast %get3A_52 : vector<16xf32> to vector<16xf32>
    %swap3A_54 = arith.constant 16 : index
    %swap3A_55 = tpu.vector_load %arg9[%swap3A_54] {strides = array<i32>} : memref<128xf32, #tpu.memory_space<vmem>>, vector<16xf32>,
    %swap3A_56 = vector.shape_cast %swap3A_55 : vector<16xf32> to vector<16xf32>
    %swap3A_57 = vector.shape_cast %get3A_53 : vector<16xf32> to vector<16xf32>
    tpu.vector_store %arg9[%swap3A_54], %swap3A_57 {strides = array<i32>} : memref<128xf32, #tpu.memory_space<vmem>>, vector<16xf32>,
    %slice3A_58 = vector.extract_strided_slice %get3A_1 {offsets = [3], sizes = [1], strides = [1]} : vector<16xi32> to vector<1xi32>
    %squeeze3A_59 = vector.extract %slice3A_58[0] : i32 from vector<1xi32>
    %mul3A_60 = arith.constant 8 : i32
    %mul3A_61 = arith.muli %squeeze3A_59, %mul3A_60 : i32
    %get3A_62 = arith.index_cast %mul3A_61 : i32 to index
    %get3A_63 = tpu.vector_load %arg10[%get3A_62] {strides = array<i32>} : memref<128xf32, #tpu.memory_space<vmem>>, vector<16xf32>,
    %get3A_64 = vector.shape_cast %get3A_63 : vector<16xf32> to vector<16xf32>
    %swap3A_65 = arith.constant 24 : index
    %swap3A_66 = tpu.vector_load %arg9[%swap3A_65] {strides = array<i32>} : memref<128xf32, #tpu.memory_space<vmem>>, vector<16xf32>,
    %swap3A_67 = vector.shape_cast %swap3A_66 : vector<16xf32> to vector<16xf32>
    %swap3A_68 = vector.shape_cast %get3A_64 : vector<16xf32> to vector<16xf32>
    tpu.vector_store %arg9[%swap3A_65], %swap3A_68 {strides = array<i32>} : memref<128xf32, #tpu.memory_space<vmem>>, vector<16xf32>,
    %slice3A_69 = vector.extract_strided_slice %get3A_1 {offsets = [4], sizes = [1], strides = [1]} : vector<16xi32> to vector<1xi32>
    %squeeze3A_70 = vector.extract %slice3A_69[0] : i32 from vector<1xi32>
    %mul3A_71 = arith.constant 8 : i32
    %mul3A_72 = arith.muli %squeeze3A_70, %mul3A_71 : i32
    %get3A_73 = arith.index_cast %mul3A_72 : i32 to index
    %get3A_74 = tpu.vector_load %arg10[%get3A_73] {strides = array<i32>} : memref<128xf32, #tpu.memory_space<vmem>>, vector<16xf32>,
    %get3A_75 = vector.shape_cast %get3A_74 : vector<16xf32> to vector<16xf32>
    %swap3A_76 = arith.constant 32 : index
    %swap3A_77 = tpu.vector_load %arg9[%swap3A_76] {strides = array<i32>} : memref<128xf32, #tpu.memory_space<vmem>>, vector<16xf32>,
    %swap3A_78 = vector.shape_cast %swap3A_77 : vector<16xf32> to vector<16xf32>
    %swap3A_79 = vector.shape_cast %get3A_75 : vector<16xf32> to vector<16xf32>
    tpu.vector_store %arg9[%swap3A_76], %swap3A_79 {strides = array<i32>} : memref<128xf32, #tpu.memory_space<vmem>>, vector<16xf32>,
    %slice3A_80 = vector.extract_strided_slice %get3A_1 {offsets = [5], sizes = [1], strides = [1]} : vector<16xi32> to vector<1xi32>
    %squeeze3A_81 = vector.extract %slice3A_80[0] : i32 from vector<1xi32>
    %mul3A_82 = arith.constant 8 : i32
    %mul3A_83 = arith.muli %squeeze3A_81, %mul3A_82 : i32
    %get3A_84 = arith.index_cast %mul3A_83 : i32 to index
    %get3A_85 = tpu.vector_load %arg10[%get3A_84] {strides = array<i32>} : memref<128xf32, #tpu.memory_space<vmem>>, vector<16xf32>,
    %get3A_86 = vector.shape_cast %get3A_85 : vector<16xf32> to vector<16xf32>
    %swap3A_87 = arith.constant 40 : index
    %swap3A_88 = tpu.vector_load %arg9[%swap3A_87] {strides = array<i32>} : memref<128xf32, #tpu.memory_space<vmem>>, vector<16xf32>,
    %swap3A_89 = vector.shape_cast %swap3A_88 : vector<16xf32> to vector<16xf32>
    %swap3A_90 = vector.shape_cast %get3A_86 : vector<16xf32> to vector<16xf32>
    tpu.vector_store %arg9[%swap3A_87], %swap3A_90 {strides = array<i32>} : memref<128xf32, #tpu.memory_space<vmem>>, vector<16xf32>,
    %slice3A_91 = vector.extract_strided_slice %get3A_1 {offsets = [6], sizes = [1], strides = [1]} : vector<16xi32> to vector<1xi32>
    %squeeze3A_92 = vector.extract %slice3A_91[0] : i32 from vector<1xi32>
    %mul3A_93 = arith.constant 8 : i32
    %mul3A_94 = arith.muli %squeeze3A_92, %mul3A_93 : i32
    %get3A_95 = arith.index_cast %mul3A_94 : i32 to index
    %get3A_96 = tpu.vector_load %arg10[%get3A_95] {strides = array<i32>} : memref<128xf32, #tpu.memory_space<vmem>>, vector<16xf32>,
    %get3A_97 = vector.shape_cast %get3A_96 : vector<16xf32> to vector<16xf32>
    %swap3A_98 = arith.constant 48 : index
    %swap3A_99 = tpu.vector_load %arg9[%swap3A_98] {strides = array<i32>} : memref<128xf32, #tpu.memory_space<vmem>>, vector<16xf32>,
    %swap3A_100 = vector.shape_cast %swap3A_99 : vector<16xf32> to vector<16xf32>
    %swap3A_101 = vector.shape_cast %get3A_97 : vector<16xf32> to vector<16xf32>
    tpu.vector_store %arg9[%swap3A_98], %swap3A_101 {strides = array<i32>} : memref<128xf32, #tpu.memory_space<vmem>>, vector<16xf32>,
    %slice3A_102 = vector.extract_strided_slice %get3A_1 {offsets = [7], sizes = [1], strides = [1]} : vector<16xi32> to vector<1xi32>
    %squeeze3A_103 = vector.extract %slice3A_102[0] : i32 from vector<1xi32>
    %mul3A_104 = arith.constant 8 : i32
    %mul3A_105 = arith.muli %squeeze3A_103, %mul3A_104 : i32
    %get3A_106 = arith.index_cast %mul3A_105 : i32 to index
    %get3A_107 = tpu.vector_load %arg10[%get3A_106] {strides = array<i32>} : memref<128xf32, #tpu.memory_space<vmem>>, vector<16xf32>,
    %get3A_108 = vector.shape_cast %get3A_107 : vector<16xf32> to vector<16xf32>
    %swap3A_109 = arith.constant 56 : index
    %swap3A_110 = tpu.vector_load %arg9[%swap3A_109] {strides = array<i32>} : memref<128xf32, #tpu.memory_space<vmem>>, vector<16xf32>,
    %swap3A_111 = vector.shape_cast %swap3A_110 : vector<16xf32> to vector<16xf32>
    %swap3A_112 = vector.shape_cast %get3A_108 : vector<16xf32> to vector<16xf32>
    tpu.vector_store %arg9[%swap3A_109], %swap3A_112 {strides = array<i32>} : memref<128xf32, #tpu.memory_space<vmem>>, vector<16xf32>,
    "tpu.region"() ({
      %run_scoped3A_113 = tpu.sem_alloc : memref<!tpu.dma_semaphore, #tpu.memory_space<semaphore_mem>>
      %dma_start3A = arith.constant 0 : i32
      %dma_start3A_114 = tpu.memref_slice %arg9[%dma_start3A] : memref<128xf32, #tpu.memory_space<vmem>> -> memref<64xf32, #tpu.memory_space<vmem>>
      %dma_start3A_115 = arith.constant 0 : i32
      %dma_start3A_116 = tpu.memref_slice %arg9[%dma_start3A_115] : memref<128xf32, #tpu.memory_space<vmem>> -> memref<64xf32, #tpu.memory_space<vmem>>
      tpu.enqueue_dma source(%dma_start3A_116 : memref<64xf32, #tpu.memory_space<vmem>>) target(%arg7 : memref<64xf32, #tpu.memory_space<hbm>>) target_semaphore(%run_scoped3A_113 : memref<!tpu.dma_semaphore, #tpu.memory_space<semaphore_mem>>)
      %dma_wait3A = arith.constant 0 : i32
      %dma_wait3A_117 = tpu.memref_slice %arg9[%dma_wait3A] : memref<128xf32, #tpu.memory_space<vmem>> -> memref<64xf32, #tpu.memory_space<vmem>>
      %dma_wait3A_118 = arith.constant 0 : i32
      %dma_wait3A_119 = tpu.memref_slice %arg9[%dma_wait3A_118] : memref<128xf32, #tpu.memory_space<vmem>> -> memref<64xf32, #tpu.memory_space<vmem>>
      tpu.wait_dma2 semaphore(%run_scoped3A_113 : memref<!tpu.dma_semaphore, #tpu.memory_space<semaphore_mem>>) src(%dma_wait3A_119 : memref<64xf32, #tpu.memory_space<vmem>>) dst(%arg7 : memref<64xf32, #tpu.memory_space<hbm>>)
      tpu.yield
    }) : () -> ()
    return
  }
}

module attributes {stable_mosaic.version = 14 : i64} {
  func.func @_tc_body(%arg0: memref<8x3xi32, #tpu.memory_space<smem>>, %arg1: memref<8x3xi32, #tpu.memory_space<vmem>>, %arg2: memref<8x1024xf32, #tpu.memory_space<vmem>>, %arg3: memref<8x8xf32, #tpu.memory_space<vmem>>, %arg4: memref<1024x1024xf32, #tpu.memory_space<hbm>>, %arg5: memref<1x1024xf32, #tpu.memory_space<vmem>>, %arg6: memref<1024x1024xf32, #tpu.memory_space<hbm>>, %arg7: memref<1x1024xf32, #tpu.memory_space<vmem>>, %arg8: memref<1024x1024xf32, #tpu.memory_space<hbm>>, %arg9: memref<1x1024xf32, #tpu.memory_space<vmem>>, %arg10: memref<1024x16xf32, #tpu.memory_space<vmem>>, %arg11: memref<1x16xf32, #tpu.memory_space<vmem>>, %arg12: memref<8x8xi32, #tpu.memory_space<vmem>>, %arg13: memref<8x3xi32, #tpu.memory_space<vmem>>, %arg14: memref<f32, #tpu.memory_space<smem>>, %arg15: memref<f32, #tpu.memory_space<smem>>, %arg16: memref<8x8xf32, #tpu.memory_space<vmem>>, %arg17: memref<1024x1024xf32, #tpu.memory_space<vmem>>, %arg18: memref<1024x1024xf32, #tpu.memory_space<vmem>>, %arg19: memref<1024x1024xf32, #tpu.memory_space<vmem>>, %arg20: memref<3x4x!tpu.dma_semaphore, #tpu.memory_space<semaphore_mem>>) attributes {dimension_semantics = [], scalar_prefetch = 0 : i64, scratch_operands = 4 : i64, tpu.core_type = #tpu.core_type<tc>} {
    %dma_start3A = arith.constant 0 : i32
    %dma_start3A_0 = arith.constant 0 : i32
    %dma_start3A_1 = tpu.memref_slice %arg20[%dma_start3A, %dma_start3A_0] : memref<3x4x!tpu.dma_semaphore, #tpu.memory_space<semaphore_mem>> -> memref<1x1x!tpu.dma_semaphore, #tpu.memory_space<semaphore_mem>>
    %dma_start3A_2 = tpu.memref_squeeze %dma_start3A_1 : memref<1x1x!tpu.dma_semaphore, #tpu.memory_space<semaphore_mem>> -> memref<!tpu.dma_semaphore, #tpu.memory_space<semaphore_mem>>
    %dma_start3A_3 = arith.constant 0 : i32
    %dma_start3A_4 = arith.constant 0 : i32
    %dma_start3A_5 = tpu.memref_slice %arg17[%dma_start3A_3, %dma_start3A_4] : memref<1024x1024xf32, #tpu.memory_space<vmem>> -> memref<256x1024xf32, #tpu.memory_space<vmem>>
    %dma_start3A_6 = arith.constant 0 : i32
    %dma_start3A_7 = arith.constant 0 : i32
    %dma_start3A_8 = tpu.memref_slice %arg4[%dma_start3A_6, %dma_start3A_7] : memref<1024x1024xf32, #tpu.memory_space<hbm>> -> memref<256x1024xf32, #tpu.memory_space<hbm>>
    tpu.enqueue_dma source(%dma_start3A_8 : memref<256x1024xf32, #tpu.memory_space<hbm>>) target(%dma_start3A_5 : memref<256x1024xf32, #tpu.memory_space<vmem>>) target_semaphore(%dma_start3A_2 : memref<!tpu.dma_semaphore, #tpu.memory_space<semaphore_mem>>)
    %dma_start3A_9 = arith.constant 0 : i32
    %dma_start3A_10 = arith.constant 1 : i32
    %dma_start3A_11 = tpu.memref_slice %arg20[%dma_start3A_9, %dma_start3A_10] : memref<3x4x!tpu.dma_semaphore, #tpu.memory_space<semaphore_mem>> -> memref<1x1x!tpu.dma_semaphore, #tpu.memory_space<semaphore_mem>>
    %dma_start3A_12 = tpu.memref_squeeze %dma_start3A_11 : memref<1x1x!tpu.dma_semaphore, #tpu.memory_space<semaphore_mem>> -> memref<!tpu.dma_semaphore, #tpu.memory_space<semaphore_mem>>
    %dma_start3A_13 = arith.constant 256 : i32
    %dma_start3A_14 = arith.constant 0 : i32
    %dma_start3A_15 = tpu.memref_slice %arg17[%dma_start3A_13, %dma_start3A_14] : memref<1024x1024xf32, #tpu.memory_space<vmem>> -> memref<256x1024xf32, #tpu.memory_space<vmem>>
    %dma_start3A_16 = arith.constant 256 : i32
    %dma_start3A_17 = arith.constant 0 : i32
    %dma_start3A_18 = tpu.memref_slice %arg4[%dma_start3A_16, %dma_start3A_17] : memref<1024x1024xf32, #tpu.memory_space<hbm>> -> memref<256x1024xf32, #tpu.memory_space<hbm>>
    tpu.enqueue_dma source(%dma_start3A_18 : memref<256x1024xf32, #tpu.memory_space<hbm>>) target(%dma_start3A_15 : memref<256x1024xf32, #tpu.memory_space<vmem>>) target_semaphore(%dma_start3A_12 : memref<!tpu.dma_semaphore, #tpu.memory_space<semaphore_mem>>)
    %dma_start3A_19 = arith.constant 0 : i32
    %dma_start3A_20 = arith.constant 2 : i32
    %dma_start3A_21 = tpu.memref_slice %arg20[%dma_start3A_19, %dma_start3A_20] : memref<3x4x!tpu.dma_semaphore, #tpu.memory_space<semaphore_mem>> -> memref<1x1x!tpu.dma_semaphore, #tpu.memory_space<semaphore_mem>>
    %dma_start3A_22 = tpu.memref_squeeze %dma_start3A_21 : memref<1x1x!tpu.dma_semaphore, #tpu.memory_space<semaphore_mem>> -> memref<!tpu.dma_semaphore, #tpu.memory_space<semaphore_mem>>
    %dma_start3A_23 = arith.constant 512 : i32
    %dma_start3A_24 = arith.constant 0 : i32
    %dma_start3A_25 = tpu.memref_slice %arg17[%dma_start3A_23, %dma_start3A_24] : memref<1024x1024xf32, #tpu.memory_space<vmem>> -> memref<256x1024xf32, #tpu.memory_space<vmem>>
    %dma_start3A_26 = arith.constant 512 : i32
    %dma_start3A_27 = arith.constant 0 : i32
    %dma_start3A_28 = tpu.memref_slice %arg4[%dma_start3A_26, %dma_start3A_27] : memref<1024x1024xf32, #tpu.memory_space<hbm>> -> memref<256x1024xf32, #tpu.memory_space<hbm>>
    tpu.enqueue_dma source(%dma_start3A_28 : memref<256x1024xf32, #tpu.memory_space<hbm>>) target(%dma_start3A_25 : memref<256x1024xf32, #tpu.memory_space<vmem>>) target_semaphore(%dma_start3A_22 : memref<!tpu.dma_semaphore, #tpu.memory_space<semaphore_mem>>)
    %dma_start3A_29 = arith.constant 0 : i32
    %dma_start3A_30 = arith.constant 3 : i32
    %dma_start3A_31 = tpu.memref_slice %arg20[%dma_start3A_29, %dma_start3A_30] : memref<3x4x!tpu.dma_semaphore, #tpu.memory_space<semaphore_mem>> -> memref<1x1x!tpu.dma_semaphore, #tpu.memory_space<semaphore_mem>>
    %dma_start3A_32 = tpu.memref_squeeze %dma_start3A_31 : memref<1x1x!tpu.dma_semaphore, #tpu.memory_space<semaphore_mem>> -> memref<!tpu.dma_semaphore, #tpu.memory_space<semaphore_mem>>
    %dma_start3A_33 = arith.constant 768 : i32
    %dma_start3A_34 = arith.constant 0 : i32
    %dma_start3A_35 = tpu.memref_slice %arg17[%dma_start3A_33, %dma_start3A_34] : memref<1024x1024xf32, #tpu.memory_space<vmem>> -> memref<256x1024xf32, #tpu.memory_space<vmem>>
    %dma_start3A_36 = arith.constant 768 : i32
    %dma_start3A_37 = arith.constant 0 : i32
    %dma_start3A_38 = tpu.memref_slice %arg4[%dma_start3A_36, %dma_start3A_37] : memref<1024x1024xf32, #tpu.memory_space<hbm>> -> memref<256x1024xf32, #tpu.memory_space<hbm>>
    tpu.enqueue_dma source(%dma_start3A_38 : memref<256x1024xf32, #tpu.memory_space<hbm>>) target(%dma_start3A_35 : memref<256x1024xf32, #tpu.memory_space<vmem>>) target_semaphore(%dma_start3A_32 : memref<!tpu.dma_semaphore, #tpu.memory_space<semaphore_mem>>)
    %dma_start3A_39 = arith.constant 1 : i32
    %dma_start3A_40 = arith.constant 0 : i32
    %dma_start3A_41 = tpu.memref_slice %arg20[%dma_start3A_39, %dma_start3A_40] : memref<3x4x!tpu.dma_semaphore, #tpu.memory_space<semaphore_mem>> -> memref<1x1x!tpu.dma_semaphore, #tpu.memory_space<semaphore_mem>>
    %dma_start3A_42 = tpu.memref_squeeze %dma_start3A_41 : memref<1x1x!tpu.dma_semaphore, #tpu.memory_space<semaphore_mem>> -> memref<!tpu.dma_semaphore, #tpu.memory_space<semaphore_mem>>
    %dma_start3A_43 = arith.constant 0 : i32
    %dma_start3A_44 = arith.constant 0 : i32
    %dma_start3A_45 = tpu.memref_slice %arg18[%dma_start3A_43, %dma_start3A_44] : memref<1024x1024xf32, #tpu.memory_space<vmem>> -> memref<256x1024xf32, #tpu.memory_space<vmem>>
    %dma_start3A_46 = arith.constant 0 : i32
    %dma_start3A_47 = arith.constant 0 : i32
    %dma_start3A_48 = tpu.memref_slice %arg6[%dma_start3A_46, %dma_start3A_47] : memref<1024x1024xf32, #tpu.memory_space<hbm>> -> memref<256x1024xf32, #tpu.memory_space<hbm>>
    tpu.enqueue_dma source(%dma_start3A_48 : memref<256x1024xf32, #tpu.memory_space<hbm>>) target(%dma_start3A_45 : memref<256x1024xf32, #tpu.memory_space<vmem>>) target_semaphore(%dma_start3A_42 : memref<!tpu.dma_semaphore, #tpu.memory_space<semaphore_mem>>)
    %dma_start3A_49 = arith.constant 1 : i32
    %dma_start3A_50 = arith.constant 1 : i32
    %dma_start3A_51 = tpu.memref_slice %arg20[%dma_start3A_49, %dma_start3A_50] : memref<3x4x!tpu.dma_semaphore, #tpu.memory_space<semaphore_mem>> -> memref<1x1x!tpu.dma_semaphore, #tpu.memory_space<semaphore_mem>>
    %dma_start3A_52 = tpu.memref_squeeze %dma_start3A_51 : memref<1x1x!tpu.dma_semaphore, #tpu.memory_space<semaphore_mem>> -> memref<!tpu.dma_semaphore, #tpu.memory_space<semaphore_mem>>
    %dma_start3A_53 = arith.constant 256 : i32
    %dma_start3A_54 = arith.constant 0 : i32
    %dma_start3A_55 = tpu.memref_slice %arg18[%dma_start3A_53, %dma_start3A_54] : memref<1024x1024xf32, #tpu.memory_space<vmem>> -> memref<256x1024xf32, #tpu.memory_space<vmem>>
    %dma_start3A_56 = arith.constant 256 : i32
    %dma_start3A_57 = arith.constant 0 : i32
    %dma_start3A_58 = tpu.memref_slice %arg6[%dma_start3A_56, %dma_start3A_57] : memref<1024x1024xf32, #tpu.memory_space<hbm>> -> memref<256x1024xf32, #tpu.memory_space<hbm>>
    tpu.enqueue_dma source(%dma_start3A_58 : memref<256x1024xf32, #tpu.memory_space<hbm>>) target(%dma_start3A_55 : memref<256x1024xf32, #tpu.memory_space<vmem>>) target_semaphore(%dma_start3A_52 : memref<!tpu.dma_semaphore, #tpu.memory_space<semaphore_mem>>)
    %iota3A = tpu.iota {dimensions = array<i32: 0>} : vector<8x8xi32>
    %iota3A_59 = tpu.iota {dimensions = array<i32: 1>} : vector<8x8xi32>
    %get3A = arith.constant 0 : index
    %get3A_60 = arith.constant 0 : index
    %get3A_61 = vector.load %arg2[%get3A, %get3A_60] : memref<8x1024xf32, #tpu.memory_space<vmem>>, vector<8x1024xf32>
    %get3A_62 = arith.constant 0 : index
    %get3A_63 = arith.constant 0 : index
    %get3A_64 = vector.load %arg3[%get3A_62, %get3A_63] : memref<8x8xf32, #tpu.memory_space<vmem>>, vector<8x8xf32>
    %broadcast_in_dim3A = arith.constant 0.000000e+00 : f32
    %broadcast_in_dim3A_65 = vector.broadcast %broadcast_in_dim3A : f32 to vector<8x8xf32>
    %get3A_66 = arith.constant 0 : index
    %get3A_67 = arith.constant 1 : index
    %get3A_68 = memref.load %arg0[%get3A_66, %get3A_67] : memref<8x3xi32, #tpu.memory_space<smem>>
    %rem3A = arith.constant 6 : i32
    %rem3A_69 = arith.remsi %get3A_68, %rem3A : i32
    %get3A_70 = arith.constant 0 : index
    %get3A_71 = arith.constant 2 : index
    %get3A_72 = memref.load %arg0[%get3A_70, %get3A_71] : memref<8x3xi32, #tpu.memory_space<smem>>
    %rem3A_73 = arith.constant 6 : i32
    %rem3A_74 = arith.remsi %get3A_72, %rem3A_73 : i32
    %eq3A = vector.broadcast %rem3A_74 : i32 to vector<8x8xi32>
    %eq3A_75 = arith.cmpi eq, %iota3A, %eq3A : vector<8x8xi32>
    %eq3A_76 = vector.broadcast %rem3A_69 : i32 to vector<8x8xi32>
    %eq3A_77 = arith.cmpi eq, %iota3A_59, %eq3A_76 : vector<8x8xi32>
    %and3A = arith.andi %eq3A_75, %eq3A_77 : vector<8x8xi1>
    %jit3A = arith.constant 1.000000e+00 : f32
    %jit3A_78 = arith.constant 0.000000e+00 : f32
    %broadcast_in_dim3A_79 = vector.broadcast %jit3A : f32 to vector<8x8xf32>
    %broadcast_in_dim3A_80 = vector.broadcast %jit3A_78 : f32 to vector<8x8xf32>
    %select_n3A = arith.select %and3A, %broadcast_in_dim3A_79, %broadcast_in_dim3A_80 : vector<8x8xi1>, vector<8x8xf32>
    %max3A = arith.maximumf %broadcast_in_dim3A_65, %select_n3A : vector<8x8xf32>
    %get3A_81 = arith.constant 1 : index
    %get3A_82 = arith.constant 1 : index
    %get3A_83 = memref.load %arg0[%get3A_81, %get3A_82] : memref<8x3xi32, #tpu.memory_space<smem>>
    %rem3A_84 = arith.constant 6 : i32
    %rem3A_85 = arith.remsi %get3A_83, %rem3A_84 : i32
    %get3A_86 = arith.constant 1 : index
    %get3A_87 = arith.constant 2 : index
    %get3A_88 = memref.load %arg0[%get3A_86, %get3A_87] : memref<8x3xi32, #tpu.memory_space<smem>>
    %rem3A_89 = arith.constant 6 : i32
    %rem3A_90 = arith.remsi %get3A_88, %rem3A_89 : i32
    %eq3A_91 = vector.broadcast %rem3A_90 : i32 to vector<8x8xi32>
    %eq3A_92 = arith.cmpi eq, %iota3A, %eq3A_91 : vector<8x8xi32>
    %eq3A_93 = vector.broadcast %rem3A_85 : i32 to vector<8x8xi32>
    %eq3A_94 = arith.cmpi eq, %iota3A_59, %eq3A_93 : vector<8x8xi32>
    %and3A_95 = arith.andi %eq3A_92, %eq3A_94 : vector<8x8xi1>
    %jit3A_96 = arith.constant 1.000000e+00 : f32
    %jit3A_97 = arith.constant 0.000000e+00 : f32
    %broadcast_in_dim3A_98 = vector.broadcast %jit3A_96 : f32 to vector<8x8xf32>
    %broadcast_in_dim3A_99 = vector.broadcast %jit3A_97 : f32 to vector<8x8xf32>
    %select_n3A_100 = arith.select %and3A_95, %broadcast_in_dim3A_98, %broadcast_in_dim3A_99 : vector<8x8xi1>, vector<8x8xf32>
    %max3A_101 = arith.maximumf %max3A, %select_n3A_100 : vector<8x8xf32>
    %get3A_102 = arith.constant 2 : index
    %get3A_103 = arith.constant 1 : index
    %get3A_104 = memref.load %arg0[%get3A_102, %get3A_103] : memref<8x3xi32, #tpu.memory_space<smem>>
    %rem3A_105 = arith.constant 6 : i32
    %rem3A_106 = arith.remsi %get3A_104, %rem3A_105 : i32
    %get3A_107 = arith.constant 2 : index
    %get3A_108 = arith.constant 2 : index
    %get3A_109 = memref.load %arg0[%get3A_107, %get3A_108] : memref<8x3xi32, #tpu.memory_space<smem>>
    %rem3A_110 = arith.constant 6 : i32
    %rem3A_111 = arith.remsi %get3A_109, %rem3A_110 : i32
    %eq3A_112 = vector.broadcast %rem3A_111 : i32 to vector<8x8xi32>
    %eq3A_113 = arith.cmpi eq, %iota3A, %eq3A_112 : vector<8x8xi32>
    %eq3A_114 = vector.broadcast %rem3A_106 : i32 to vector<8x8xi32>
    %eq3A_115 = arith.cmpi eq, %iota3A_59, %eq3A_114 : vector<8x8xi32>
    %and3A_116 = arith.andi %eq3A_113, %eq3A_115 : vector<8x8xi1>
    %jit3A_117 = arith.constant 1.000000e+00 : f32
    %jit3A_118 = arith.constant 0.000000e+00 : f32
    %broadcast_in_dim3A_119 = vector.broadcast %jit3A_117 : f32 to vector<8x8xf32>
    %broadcast_in_dim3A_120 = vector.broadcast %jit3A_118 : f32 to vector<8x8xf32>
    %select_n3A_121 = arith.select %and3A_116, %broadcast_in_dim3A_119, %broadcast_in_dim3A_120 : vector<8x8xi1>, vector<8x8xf32>
    %max3A_122 = arith.maximumf %max3A_101, %select_n3A_121 : vector<8x8xf32>
    %get3A_123 = arith.constant 3 : index
    %get3A_124 = arith.constant 1 : index
    %get3A_125 = memref.load %arg0[%get3A_123, %get3A_124] : memref<8x3xi32, #tpu.memory_space<smem>>
    %rem3A_126 = arith.constant 6 : i32
    %rem3A_127 = arith.remsi %get3A_125, %rem3A_126 : i32
    %get3A_128 = arith.constant 3 : index
    %get3A_129 = arith.constant 2 : index
    %get3A_130 = memref.load %arg0[%get3A_128, %get3A_129] : memref<8x3xi32, #tpu.memory_space<smem>>
    %rem3A_131 = arith.constant 6 : i32
    %rem3A_132 = arith.remsi %get3A_130, %rem3A_131 : i32
    %eq3A_133 = vector.broadcast %rem3A_132 : i32 to vector<8x8xi32>
    %eq3A_134 = arith.cmpi eq, %iota3A, %eq3A_133 : vector<8x8xi32>
    %eq3A_135 = vector.broadcast %rem3A_127 : i32 to vector<8x8xi32>
    %eq3A_136 = arith.cmpi eq, %iota3A_59, %eq3A_135 : vector<8x8xi32>
    %and3A_137 = arith.andi %eq3A_134, %eq3A_136 : vector<8x8xi1>
    %jit3A_138 = arith.constant 1.000000e+00 : f32
    %jit3A_139 = arith.constant 0.000000e+00 : f32
    %broadcast_in_dim3A_140 = vector.broadcast %jit3A_138 : f32 to vector<8x8xf32>
    %broadcast_in_dim3A_141 = vector.broadcast %jit3A_139 : f32 to vector<8x8xf32>
    %select_n3A_142 = arith.select %and3A_137, %broadcast_in_dim3A_140, %broadcast_in_dim3A_141 : vector<8x8xi1>, vector<8x8xf32>
    %max3A_143 = arith.maximumf %max3A_122, %select_n3A_142 : vector<8x8xf32>
    %get3A_144 = arith.constant 4 : index
    %get3A_145 = arith.constant 1 : index
    %get3A_146 = memref.load %arg0[%get3A_144, %get3A_145] : memref<8x3xi32, #tpu.memory_space<smem>>
    %rem3A_147 = arith.constant 6 : i32
    %rem3A_148 = arith.remsi %get3A_146, %rem3A_147 : i32
    %get3A_149 = arith.constant 4 : index
    %get3A_150 = arith.constant 2 : index
    %get3A_151 = memref.load %arg0[%get3A_149, %get3A_150] : memref<8x3xi32, #tpu.memory_space<smem>>
    %rem3A_152 = arith.constant 6 : i32
    %rem3A_153 = arith.remsi %get3A_151, %rem3A_152 : i32
    %eq3A_154 = vector.broadcast %rem3A_153 : i32 to vector<8x8xi32>
    %eq3A_155 = arith.cmpi eq, %iota3A, %eq3A_154 : vector<8x8xi32>
    %eq3A_156 = vector.broadcast %rem3A_148 : i32 to vector<8x8xi32>
    %eq3A_157 = arith.cmpi eq, %iota3A_59, %eq3A_156 : vector<8x8xi32>
    %and3A_158 = arith.andi %eq3A_155, %eq3A_157 : vector<8x8xi1>
    %jit3A_159 = arith.constant 1.000000e+00 : f32
    %jit3A_160 = arith.constant 0.000000e+00 : f32
    %broadcast_in_dim3A_161 = vector.broadcast %jit3A_159 : f32 to vector<8x8xf32>
    %broadcast_in_dim3A_162 = vector.broadcast %jit3A_160 : f32 to vector<8x8xf32>
    %select_n3A_163 = arith.select %and3A_158, %broadcast_in_dim3A_161, %broadcast_in_dim3A_162 : vector<8x8xi1>, vector<8x8xf32>
    %max3A_164 = arith.maximumf %max3A_143, %select_n3A_163 : vector<8x8xf32>
    %get3A_165 = arith.constant 5 : index
    %get3A_166 = arith.constant 1 : index
    %get3A_167 = memref.load %arg0[%get3A_165, %get3A_166] : memref<8x3xi32, #tpu.memory_space<smem>>
    %rem3A_168 = arith.constant 6 : i32
    %rem3A_169 = arith.remsi %get3A_167, %rem3A_168 : i32
    %get3A_170 = arith.constant 5 : index
    %get3A_171 = arith.constant 2 : index
    %get3A_172 = memref.load %arg0[%get3A_170, %get3A_171] : memref<8x3xi32, #tpu.memory_space<smem>>
    %rem3A_173 = arith.constant 6 : i32
    %rem3A_174 = arith.remsi %get3A_172, %rem3A_173 : i32
    %eq3A_175 = vector.broadcast %rem3A_174 : i32 to vector<8x8xi32>
    %eq3A_176 = arith.cmpi eq, %iota3A, %eq3A_175 : vector<8x8xi32>
    %eq3A_177 = vector.broadcast %rem3A_169 : i32 to vector<8x8xi32>
    %eq3A_178 = arith.cmpi eq, %iota3A_59, %eq3A_177 : vector<8x8xi32>
    %and3A_179 = arith.andi %eq3A_176, %eq3A_178 : vector<8x8xi1>
    %jit3A_180 = arith.constant 1.000000e+00 : f32
    %jit3A_181 = arith.constant 0.000000e+00 : f32
    %broadcast_in_dim3A_182 = vector.broadcast %jit3A_180 : f32 to vector<8x8xf32>
    %broadcast_in_dim3A_183 = vector.broadcast %jit3A_181 : f32 to vector<8x8xf32>
    %select_n3A_184 = arith.select %and3A_179, %broadcast_in_dim3A_182, %broadcast_in_dim3A_183 : vector<8x8xi1>, vector<8x8xf32>
    %max3A_185 = arith.maximumf %max3A_164, %select_n3A_184 : vector<8x8xf32>
    %get3A_186 = arith.constant 6 : index
    %get3A_187 = arith.constant 1 : index
    %get3A_188 = memref.load %arg0[%get3A_186, %get3A_187] : memref<8x3xi32, #tpu.memory_space<smem>>
    %rem3A_189 = arith.constant 6 : i32
    %rem3A_190 = arith.remsi %get3A_188, %rem3A_189 : i32
    %get3A_191 = arith.constant 6 : index
    %get3A_192 = arith.constant 2 : index
    %get3A_193 = memref.load %arg0[%get3A_191, %get3A_192] : memref<8x3xi32, #tpu.memory_space<smem>>
    %rem3A_194 = arith.constant 6 : i32
    %rem3A_195 = arith.remsi %get3A_193, %rem3A_194 : i32
    %eq3A_196 = vector.broadcast %rem3A_195 : i32 to vector<8x8xi32>
    %eq3A_197 = arith.cmpi eq, %iota3A, %eq3A_196 : vector<8x8xi32>
    %eq3A_198 = vector.broadcast %rem3A_190 : i32 to vector<8x8xi32>
    %eq3A_199 = arith.cmpi eq, %iota3A_59, %eq3A_198 : vector<8x8xi32>
    %and3A_200 = arith.andi %eq3A_197, %eq3A_199 : vector<8x8xi1>
    %jit3A_201 = arith.constant 1.000000e+00 : f32
    %jit3A_202 = arith.constant 0.000000e+00 : f32
    %broadcast_in_dim3A_203 = vector.broadcast %jit3A_201 : f32 to vector<8x8xf32>
    %broadcast_in_dim3A_204 = vector.broadcast %jit3A_202 : f32 to vector<8x8xf32>
    %select_n3A_205 = arith.select %and3A_200, %broadcast_in_dim3A_203, %broadcast_in_dim3A_204 : vector<8x8xi1>, vector<8x8xf32>
    %max3A_206 = arith.maximumf %max3A_185, %select_n3A_205 : vector<8x8xf32>
    %get3A_207 = arith.constant 7 : index
    %get3A_208 = arith.constant 1 : index
    %get3A_209 = memref.load %arg0[%get3A_207, %get3A_208] : memref<8x3xi32, #tpu.memory_space<smem>>
    %rem3A_210 = arith.constant 6 : i32
    %rem3A_211 = arith.remsi %get3A_209, %rem3A_210 : i32
    %get3A_212 = arith.constant 7 : index
    %get3A_213 = arith.constant 2 : index
    %get3A_214 = memref.load %arg0[%get3A_212, %get3A_213] : memref<8x3xi32, #tpu.memory_space<smem>>
    %rem3A_215 = arith.constant 6 : i32
    %rem3A_216 = arith.remsi %get3A_214, %rem3A_215 : i32
    %eq3A_217 = vector.broadcast %rem3A_216 : i32 to vector<8x8xi32>
    %eq3A_218 = arith.cmpi eq, %iota3A, %eq3A_217 : vector<8x8xi32>
    %eq3A_219 = vector.broadcast %rem3A_211 : i32 to vector<8x8xi32>
    %eq3A_220 = arith.cmpi eq, %iota3A_59, %eq3A_219 : vector<8x8xi32>
    %and3A_221 = arith.andi %eq3A_218, %eq3A_220 : vector<8x8xi1>
    %jit3A_222 = arith.constant 1.000000e+00 : f32
    %jit3A_223 = arith.constant 0.000000e+00 : f32
    %broadcast_in_dim3A_224 = vector.broadcast %jit3A_222 : f32 to vector<8x8xf32>
    %broadcast_in_dim3A_225 = vector.broadcast %jit3A_223 : f32 to vector<8x8xf32>
    %select_n3A_226 = arith.select %and3A_221, %broadcast_in_dim3A_224, %broadcast_in_dim3A_225 : vector<8x8xi1>, vector<8x8xf32>
    %max3A_227 = arith.maximumf %max3A_206, %select_n3A_226 : vector<8x8xf32>
    %dma_wait3A = arith.constant 0 : i32
    %dma_wait3A_228 = arith.constant 0 : i32
    %dma_wait3A_229 = tpu.memref_slice %arg20[%dma_wait3A, %dma_wait3A_228] : memref<3x4x!tpu.dma_semaphore, #tpu.memory_space<semaphore_mem>> -> memref<1x1x!tpu.dma_semaphore, #tpu.memory_space<semaphore_mem>>
    %dma_wait3A_230 = tpu.memref_squeeze %dma_wait3A_229 : memref<1x1x!tpu.dma_semaphore, #tpu.memory_space<semaphore_mem>> -> memref<!tpu.dma_semaphore, #tpu.memory_space<semaphore_mem>>
    %dma_wait3A_231 = arith.constant 0 : i32
    %dma_wait3A_232 = arith.constant 0 : i32
    %dma_wait3A_233 = tpu.memref_slice %arg17[%dma_wait3A_231, %dma_wait3A_232] : memref<1024x1024xf32, #tpu.memory_space<vmem>> -> memref<256x1024xf32, #tpu.memory_space<vmem>>
    %dma_wait3A_234 = arith.constant 0 : i32
    %dma_wait3A_235 = arith.constant 0 : i32
    %dma_wait3A_236 = tpu.memref_slice %arg4[%dma_wait3A_234, %dma_wait3A_235] : memref<1024x1024xf32, #tpu.memory_space<hbm>> -> memref<256x1024xf32, #tpu.memory_space<hbm>>
    tpu.wait_dma2 semaphore(%dma_wait3A_230 : memref<!tpu.dma_semaphore, #tpu.memory_space<semaphore_mem>>) src(%dma_wait3A_236 : memref<256x1024xf32, #tpu.memory_space<hbm>>) dst(%dma_wait3A_233 : memref<256x1024xf32, #tpu.memory_space<vmem>>)
    %dma_start3A_237 = arith.constant 1 : i32
    %dma_start3A_238 = arith.constant 2 : i32
    %dma_start3A_239 = tpu.memref_slice %arg20[%dma_start3A_237, %dma_start3A_238] : memref<3x4x!tpu.dma_semaphore, #tpu.memory_space<semaphore_mem>> -> memref<1x1x!tpu.dma_semaphore, #tpu.memory_space<semaphore_mem>>
    %dma_start3A_240 = tpu.memref_squeeze %dma_start3A_239 : memref<1x1x!tpu.dma_semaphore, #tpu.memory_space<semaphore_mem>> -> memref<!tpu.dma_semaphore, #tpu.memory_space<semaphore_mem>>
    %dma_start3A_241 = arith.constant 512 : i32
    %dma_start3A_242 = arith.constant 0 : i32
    %dma_start3A_243 = tpu.memref_slice %arg18[%dma_start3A_241, %dma_start3A_242] : memref<1024x1024xf32, #tpu.memory_space<vmem>> -> memref<256x1024xf32, #tpu.memory_space<vmem>>
    %dma_start3A_244 = arith.constant 512 : i32
    %dma_start3A_245 = arith.constant 0 : i32
    %dma_start3A_246 = tpu.memref_slice %arg6[%dma_start3A_244, %dma_start3A_245] : memref<1024x1024xf32, #tpu.memory_space<hbm>> -> memref<256x1024xf32, #tpu.memory_space<hbm>>
    tpu.enqueue_dma source(%dma_start3A_246 : memref<256x1024xf32, #tpu.memory_space<hbm>>) target(%dma_start3A_243 : memref<256x1024xf32, #tpu.memory_space<vmem>>) target_semaphore(%dma_start3A_240 : memref<!tpu.dma_semaphore, #tpu.memory_space<semaphore_mem>>)
    %slice3A = vector.extract_strided_slice %get3A_61 {offsets = [0, 0], sizes = [8, 256], strides = [1, 1]} : vector<8x1024xf32> to vector<8x256xf32>
    %get3A_247 = arith.constant 0 : index
    %get3A_248 = arith.constant 0 : index
    %get3A_249 = vector.load %arg17[%get3A_247, %get3A_248] : memref<1024x1024xf32, #tpu.memory_space<vmem>>, vector<256x1024xf32>
    %dot_general3A = arith.constant dense<0.000000e+00> : vector<8x1024xf32>
    %dot_general3A_250 = tpu.matmul %slice3A, %get3A_249, %dot_general3A {dimension_numbers = #tpu.dot_dimension_numbers<[1], [0], [0], [1], [0, 0, 1, 1], [], []>, transpose_lhs_hint = false} : vector<8x256xf32>, vector<256x1024xf32>, vector<8x1024xf32> -> vector<8x1024xf32>
    %dma_wait3A_251 = arith.constant 0 : i32
    %dma_wait3A_252 = arith.constant 1 : i32
    %dma_wait3A_253 = tpu.memref_slice %arg20[%dma_wait3A_251, %dma_wait3A_252] : memref<3x4x!tpu.dma_semaphore, #tpu.memory_space<semaphore_mem>> -> memref<1x1x!tpu.dma_semaphore, #tpu.memory_space<semaphore_mem>>
    %dma_wait3A_254 = tpu.memref_squeeze %dma_wait3A_253 : memref<1x1x!tpu.dma_semaphore, #tpu.memory_space<semaphore_mem>> -> memref<!tpu.dma_semaphore, #tpu.memory_space<semaphore_mem>>
    %dma_wait3A_255 = arith.constant 256 : i32
    %dma_wait3A_256 = arith.constant 0 : i32
    %dma_wait3A_257 = tpu.memref_slice %arg17[%dma_wait3A_255, %dma_wait3A_256] : memref<1024x1024xf32, #tpu.memory_space<vmem>> -> memref<256x1024xf32, #tpu.memory_space<vmem>>
    %dma_wait3A_258 = arith.constant 256 : i32
    %dma_wait3A_259 = arith.constant 0 : i32
    %dma_wait3A_260 = tpu.memref_slice %arg4[%dma_wait3A_258, %dma_wait3A_259] : memref<1024x1024xf32, #tpu.memory_space<hbm>> -> memref<256x1024xf32, #tpu.memory_space<hbm>>
    tpu.wait_dma2 semaphore(%dma_wait3A_254 : memref<!tpu.dma_semaphore, #tpu.memory_space<semaphore_mem>>) src(%dma_wait3A_260 : memref<256x1024xf32, #tpu.memory_space<hbm>>) dst(%dma_wait3A_257 : memref<256x1024xf32, #tpu.memory_space<vmem>>)
    %dma_start3A_261 = arith.constant 1 : i32
    %dma_start3A_262 = arith.constant 3 : i32
    %dma_start3A_263 = tpu.memref_slice %arg20[%dma_start3A_261, %dma_start3A_262] : memref<3x4x!tpu.dma_semaphore, #tpu.memory_space<semaphore_mem>> -> memref<1x1x!tpu.dma_semaphore, #tpu.memory_space<semaphore_mem>>
    %dma_start3A_264 = tpu.memref_squeeze %dma_start3A_263 : memref<1x1x!tpu.dma_semaphore, #tpu.memory_space<semaphore_mem>> -> memref<!tpu.dma_semaphore, #tpu.memory_space<semaphore_mem>>
    %dma_start3A_265 = arith.constant 768 : i32
    %dma_start3A_266 = arith.constant 0 : i32
    %dma_start3A_267 = tpu.memref_slice %arg18[%dma_start3A_265, %dma_start3A_266] : memref<1024x1024xf32, #tpu.memory_space<vmem>> -> memref<256x1024xf32, #tpu.memory_space<vmem>>
    %dma_start3A_268 = arith.constant 768 : i32
    %dma_start3A_269 = arith.constant 0 : i32
    %dma_start3A_270 = tpu.memref_slice %arg6[%dma_start3A_268, %dma_start3A_269] : memref<1024x1024xf32, #tpu.memory_space<hbm>> -> memref<256x1024xf32, #tpu.memory_space<hbm>>
    tpu.enqueue_dma source(%dma_start3A_270 : memref<256x1024xf32, #tpu.memory_space<hbm>>) target(%dma_start3A_267 : memref<256x1024xf32, #tpu.memory_space<vmem>>) target_semaphore(%dma_start3A_264 : memref<!tpu.dma_semaphore, #tpu.memory_space<semaphore_mem>>)
    %slice3A_271 = vector.extract_strided_slice %get3A_61 {offsets = [0, 256], sizes = [8, 256], strides = [1, 1]} : vector<8x1024xf32> to vector<8x256xf32>
    %get3A_272 = arith.constant 256 : index
    %get3A_273 = arith.constant 0 : index
    %get3A_274 = vector.load %arg17[%get3A_272, %get3A_273] : memref<1024x1024xf32, #tpu.memory_space<vmem>>, vector<256x1024xf32>
    %dot_general3A_275 = arith.constant dense<0.000000e+00> : vector<8x1024xf32>
    %dot_general3A_276 = tpu.matmul %slice3A_271, %get3A_274, %dot_general3A_275 {dimension_numbers = #tpu.dot_dimension_numbers<[1], [0], [0], [1], [0, 0, 1, 1], [], []>, transpose_lhs_hint = false} : vector<8x256xf32>, vector<256x1024xf32>, vector<8x1024xf32> -> vector<8x1024xf32>
    %add3A = arith.addf %dot_general3A_250, %dot_general3A_276 : vector<8x1024xf32>
    %dma_wait3A_277 = arith.constant 0 : i32
    %dma_wait3A_278 = arith.constant 2 : i32
    %dma_wait3A_279 = tpu.memref_slice %arg20[%dma_wait3A_277, %dma_wait3A_278] : memref<3x4x!tpu.dma_semaphore, #tpu.memory_space<semaphore_mem>> -> memref<1x1x!tpu.dma_semaphore, #tpu.memory_space<semaphore_mem>>
    %dma_wait3A_280 = tpu.memref_squeeze %dma_wait3A_279 : memref<1x1x!tpu.dma_semaphore, #tpu.memory_space<semaphore_mem>> -> memref<!tpu.dma_semaphore, #tpu.memory_space<semaphore_mem>>
    %dma_wait3A_281 = arith.constant 512 : i32
    %dma_wait3A_282 = arith.constant 0 : i32
    %dma_wait3A_283 = tpu.memref_slice %arg17[%dma_wait3A_281, %dma_wait3A_282] : memref<1024x1024xf32, #tpu.memory_space<vmem>> -> memref<256x1024xf32, #tpu.memory_space<vmem>>
    %dma_wait3A_284 = arith.constant 512 : i32
    %dma_wait3A_285 = arith.constant 0 : i32
    %dma_wait3A_286 = tpu.memref_slice %arg4[%dma_wait3A_284, %dma_wait3A_285] : memref<1024x1024xf32, #tpu.memory_space<hbm>> -> memref<256x1024xf32, #tpu.memory_space<hbm>>
    tpu.wait_dma2 semaphore(%dma_wait3A_280 : memref<!tpu.dma_semaphore, #tpu.memory_space<semaphore_mem>>) src(%dma_wait3A_286 : memref<256x1024xf32, #tpu.memory_space<hbm>>) dst(%dma_wait3A_283 : memref<256x1024xf32, #tpu.memory_space<vmem>>)
    %dma_start3A_287 = arith.constant 2 : i32
    %dma_start3A_288 = arith.constant 0 : i32
    %dma_start3A_289 = tpu.memref_slice %arg20[%dma_start3A_287, %dma_start3A_288] : memref<3x4x!tpu.dma_semaphore, #tpu.memory_space<semaphore_mem>> -> memref<1x1x!tpu.dma_semaphore, #tpu.memory_space<semaphore_mem>>
    %dma_start3A_290 = tpu.memref_squeeze %dma_start3A_289 : memref<1x1x!tpu.dma_semaphore, #tpu.memory_space<semaphore_mem>> -> memref<!tpu.dma_semaphore, #tpu.memory_space<semaphore_mem>>
    %dma_start3A_291 = arith.constant 0 : i32
    %dma_start3A_292 = arith.constant 0 : i32
    %dma_start3A_293 = tpu.memref_slice %arg19[%dma_start3A_291, %dma_start3A_292] : memref<1024x1024xf32, #tpu.memory_space<vmem>> -> memref<256x1024xf32, #tpu.memory_space<vmem>>
    %dma_start3A_294 = arith.constant 0 : i32
    %dma_start3A_295 = arith.constant 0 : i32
    %dma_start3A_296 = tpu.memref_slice %arg8[%dma_start3A_294, %dma_start3A_295] : memref<1024x1024xf32, #tpu.memory_space<hbm>> -> memref<256x1024xf32, #tpu.memory_space<hbm>>
    tpu.enqueue_dma source(%dma_start3A_296 : memref<256x1024xf32, #tpu.memory_space<hbm>>) target(%dma_start3A_293 : memref<256x1024xf32, #tpu.memory_space<vmem>>) target_semaphore(%dma_start3A_290 : memref<!tpu.dma_semaphore, #tpu.memory_space<semaphore_mem>>)
    %slice3A_297 = vector.extract_strided_slice %get3A_61 {offsets = [0, 512], sizes = [8, 256], strides = [1, 1]} : vector<8x1024xf32> to vector<8x256xf32>
    %get3A_298 = arith.constant 512 : index
    %get3A_299 = arith.constant 0 : index
    %get3A_300 = vector.load %arg17[%get3A_298, %get3A_299] : memref<1024x1024xf32, #tpu.memory_space<vmem>>, vector<256x1024xf32>
    %dot_general3A_301 = arith.constant dense<0.000000e+00> : vector<8x1024xf32>
    %dot_general3A_302 = tpu.matmul %slice3A_297, %get3A_300, %dot_general3A_301 {dimension_numbers = #tpu.dot_dimension_numbers<[1], [0], [0], [1], [0, 0, 1, 1], [], []>, transpose_lhs_hint = false} : vector<8x256xf32>, vector<256x1024xf32>, vector<8x1024xf32> -> vector<8x1024xf32>
    %add3A_303 = arith.addf %add3A, %dot_general3A_302 : vector<8x1024xf32>
    %dma_wait3A_304 = arith.constant 0 : i32
    %dma_wait3A_305 = arith.constant 3 : i32
    %dma_wait3A_306 = tpu.memref_slice %arg20[%dma_wait3A_304, %dma_wait3A_305] : memref<3x4x!tpu.dma_semaphore, #tpu.memory_space<semaphore_mem>> -> memref<1x1x!tpu.dma_semaphore, #tpu.memory_space<semaphore_mem>>
    %dma_wait3A_307 = tpu.memref_squeeze %dma_wait3A_306 : memref<1x1x!tpu.dma_semaphore, #tpu.memory_space<semaphore_mem>> -> memref<!tpu.dma_semaphore, #tpu.memory_space<semaphore_mem>>
    %dma_wait3A_308 = arith.constant 768 : i32
    %dma_wait3A_309 = arith.constant 0 : i32
    %dma_wait3A_310 = tpu.memref_slice %arg17[%dma_wait3A_308, %dma_wait3A_309] : memref<1024x1024xf32, #tpu.memory_space<vmem>> -> memref<256x1024xf32, #tpu.memory_space<vmem>>
    %dma_wait3A_311 = arith.constant 768 : i32
    %dma_wait3A_312 = arith.constant 0 : i32
    %dma_wait3A_313 = tpu.memref_slice %arg4[%dma_wait3A_311, %dma_wait3A_312] : memref<1024x1024xf32, #tpu.memory_space<hbm>> -> memref<256x1024xf32, #tpu.memory_space<hbm>>
    tpu.wait_dma2 semaphore(%dma_wait3A_307 : memref<!tpu.dma_semaphore, #tpu.memory_space<semaphore_mem>>) src(%dma_wait3A_313 : memref<256x1024xf32, #tpu.memory_space<hbm>>) dst(%dma_wait3A_310 : memref<256x1024xf32, #tpu.memory_space<vmem>>)
    %dma_start3A_314 = arith.constant 2 : i32
    %dma_start3A_315 = arith.constant 1 : i32
    %dma_start3A_316 = tpu.memref_slice %arg20[%dma_start3A_314, %dma_start3A_315] : memref<3x4x!tpu.dma_semaphore, #tpu.memory_space<semaphore_mem>> -> memref<1x1x!tpu.dma_semaphore, #tpu.memory_space<semaphore_mem>>
    %dma_start3A_317 = tpu.memref_squeeze %dma_start3A_316 : memref<1x1x!tpu.dma_semaphore, #tpu.memory_space<semaphore_mem>> -> memref<!tpu.dma_semaphore, #tpu.memory_space<semaphore_mem>>
    %dma_start3A_318 = arith.constant 256 : i32
    %dma_start3A_319 = arith.constant 0 : i32
    %dma_start3A_320 = tpu.memref_slice %arg19[%dma_start3A_318, %dma_start3A_319] : memref<1024x1024xf32, #tpu.memory_space<vmem>> -> memref<256x1024xf32, #tpu.memory_space<vmem>>
    %dma_start3A_321 = arith.constant 256 : i32
    %dma_start3A_322 = arith.constant 0 : i32
    %dma_start3A_323 = tpu.memref_slice %arg8[%dma_start3A_321, %dma_start3A_322] : memref<1024x1024xf32, #tpu.memory_space<hbm>> -> memref<256x1024xf32, #tpu.memory_space<hbm>>
    tpu.enqueue_dma source(%dma_start3A_323 : memref<256x1024xf32, #tpu.memory_space<hbm>>) target(%dma_start3A_320 : memref<256x1024xf32, #tpu.memory_space<vmem>>) target_semaphore(%dma_start3A_317 : memref<!tpu.dma_semaphore, #tpu.memory_space<semaphore_mem>>)
    %slice3A_324 = vector.extract_strided_slice %get3A_61 {offsets = [0, 768], sizes = [8, 256], strides = [1, 1]} : vector<8x1024xf32> to vector<8x256xf32>
    %get3A_325 = arith.constant 768 : index
    %get3A_326 = arith.constant 0 : index
    %get3A_327 = vector.load %arg17[%get3A_325, %get3A_326] : memref<1024x1024xf32, #tpu.memory_space<vmem>>, vector<256x1024xf32>
    %dot_general3A_328 = arith.constant dense<0.000000e+00> : vector<8x1024xf32>
    %dot_general3A_329 = tpu.matmul %slice3A_324, %get3A_327, %dot_general3A_328 {dimension_numbers = #tpu.dot_dimension_numbers<[1], [0], [0], [1], [0, 0, 1, 1], [], []>, transpose_lhs_hint = false} : vector<8x256xf32>, vector<256x1024xf32>, vector<8x1024xf32> -> vector<8x1024xf32>
    %add3A_330 = arith.addf %add3A_303, %dot_general3A_329 : vector<8x1024xf32>
    %get3A_331 = arith.constant 0 : index
    %get3A_332 = arith.constant 0 : index
    %get3A_333 = vector.load %arg5[%get3A_331, %get3A_332] : memref<1x1024xf32, #tpu.memory_space<vmem>>, vector<1x1024xf32>
    %add3A_334 = vector.broadcast %get3A_333 : vector<1x1024xf32> to vector<8x1024xf32>
    %add3A_335 = arith.addf %add3A_330, %add3A_334 : vector<8x1024xf32>
    %dma_wait3A_336 = arith.constant 1 : i32
    %dma_wait3A_337 = arith.constant 0 : i32
    %dma_wait3A_338 = tpu.memref_slice %arg20[%dma_wait3A_336, %dma_wait3A_337] : memref<3x4x!tpu.dma_semaphore, #tpu.memory_space<semaphore_mem>> -> memref<1x1x!tpu.dma_semaphore, #tpu.memory_space<semaphore_mem>>
    %dma_wait3A_339 = tpu.memref_squeeze %dma_wait3A_338 : memref<1x1x!tpu.dma_semaphore, #tpu.memory_space<semaphore_mem>> -> memref<!tpu.dma_semaphore, #tpu.memory_space<semaphore_mem>>
    %dma_wait3A_340 = arith.constant 0 : i32
    %dma_wait3A_341 = arith.constant 0 : i32
    %dma_wait3A_342 = tpu.memref_slice %arg18[%dma_wait3A_340, %dma_wait3A_341] : memref<1024x1024xf32, #tpu.memory_space<vmem>> -> memref<256x1024xf32, #tpu.memory_space<vmem>>
    %dma_wait3A_343 = arith.constant 0 : i32
    %dma_wait3A_344 = arith.constant 0 : i32
    %dma_wait3A_345 = tpu.memref_slice %arg6[%dma_wait3A_343, %dma_wait3A_344] : memref<1024x1024xf32, #tpu.memory_space<hbm>> -> memref<256x1024xf32, #tpu.memory_space<hbm>>
    tpu.wait_dma2 semaphore(%dma_wait3A_339 : memref<!tpu.dma_semaphore, #tpu.memory_space<semaphore_mem>>) src(%dma_wait3A_345 : memref<256x1024xf32, #tpu.memory_space<hbm>>) dst(%dma_wait3A_342 : memref<256x1024xf32, #tpu.memory_space<vmem>>)
    %dma_start3A_346 = arith.constant 2 : i32
    %dma_start3A_347 = arith.constant 2 : i32
    %dma_start3A_348 = tpu.memref_slice %arg20[%dma_start3A_346, %dma_start3A_347] : memref<3x4x!tpu.dma_semaphore, #tpu.memory_space<semaphore_mem>> -> memref<1x1x!tpu.dma_semaphore, #tpu.memory_space<semaphore_mem>>
    %dma_start3A_349 = tpu.memref_squeeze %dma_start3A_348 : memref<1x1x!tpu.dma_semaphore, #tpu.memory_space<semaphore_mem>> -> memref<!tpu.dma_semaphore, #tpu.memory_space<semaphore_mem>>
    %dma_start3A_350 = arith.constant 512 : i32
    %dma_start3A_351 = arith.constant 0 : i32
    %dma_start3A_352 = tpu.memref_slice %arg19[%dma_start3A_350, %dma_start3A_351] : memref<1024x1024xf32, #tpu.memory_space<vmem>> -> memref<256x1024xf32, #tpu.memory_space<vmem>>
    %dma_start3A_353 = arith.constant 512 : i32
    %dma_start3A_354 = arith.constant 0 : i32
    %dma_start3A_355 = tpu.memref_slice %arg8[%dma_start3A_353, %dma_start3A_354] : memref<1024x1024xf32, #tpu.memory_space<hbm>> -> memref<256x1024xf32, #tpu.memory_space<hbm>>
    tpu.enqueue_dma source(%dma_start3A_355 : memref<256x1024xf32, #tpu.memory_space<hbm>>) target(%dma_start3A_352 : memref<256x1024xf32, #tpu.memory_space<vmem>>) target_semaphore(%dma_start3A_349 : memref<!tpu.dma_semaphore, #tpu.memory_space<semaphore_mem>>)
    %slice3A_356 = vector.extract_strided_slice %add3A_335 {offsets = [0, 0], sizes = [8, 256], strides = [1, 1]} : vector<8x1024xf32> to vector<8x256xf32>
    %get3A_357 = arith.constant 0 : index
    %get3A_358 = arith.constant 0 : index
    %get3A_359 = vector.load %arg18[%get3A_357, %get3A_358] : memref<1024x1024xf32, #tpu.memory_space<vmem>>, vector<256x1024xf32>
    %dot_general3A_360 = arith.constant dense<0.000000e+00> : vector<8x1024xf32>
    %dot_general3A_361 = tpu.matmul %slice3A_356, %get3A_359, %dot_general3A_360 {dimension_numbers = #tpu.dot_dimension_numbers<[1], [0], [0], [1], [0, 0, 1, 1], [], []>, transpose_lhs_hint = false} : vector<8x256xf32>, vector<256x1024xf32>, vector<8x1024xf32> -> vector<8x1024xf32>
    %dma_wait3A_362 = arith.constant 1 : i32
    %dma_wait3A_363 = arith.constant 1 : i32
    %dma_wait3A_364 = tpu.memref_slice %arg20[%dma_wait3A_362, %dma_wait3A_363] : memref<3x4x!tpu.dma_semaphore, #tpu.memory_space<semaphore_mem>> -> memref<1x1x!tpu.dma_semaphore, #tpu.memory_space<semaphore_mem>>
    %dma_wait3A_365 = tpu.memref_squeeze %dma_wait3A_364 : memref<1x1x!tpu.dma_semaphore, #tpu.memory_space<semaphore_mem>> -> memref<!tpu.dma_semaphore, #tpu.memory_space<semaphore_mem>>
    %dma_wait3A_366 = arith.constant 256 : i32
    %dma_wait3A_367 = arith.constant 0 : i32
    %dma_wait3A_368 = tpu.memref_slice %arg18[%dma_wait3A_366, %dma_wait3A_367] : memref<1024x1024xf32, #tpu.memory_space<vmem>> -> memref<256x1024xf32, #tpu.memory_space<vmem>>
    %dma_wait3A_369 = arith.constant 256 : i32
    %dma_wait3A_370 = arith.constant 0 : i32
    %dma_wait3A_371 = tpu.memref_slice %arg6[%dma_wait3A_369, %dma_wait3A_370] : memref<1024x1024xf32, #tpu.memory_space<hbm>> -> memref<256x1024xf32, #tpu.memory_space<hbm>>
    tpu.wait_dma2 semaphore(%dma_wait3A_365 : memref<!tpu.dma_semaphore, #tpu.memory_space<semaphore_mem>>) src(%dma_wait3A_371 : memref<256x1024xf32, #tpu.memory_space<hbm>>) dst(%dma_wait3A_368 : memref<256x1024xf32, #tpu.memory_space<vmem>>)
    %dma_start3A_372 = arith.constant 2 : i32
    %dma_start3A_373 = arith.constant 3 : i32
    %dma_start3A_374 = tpu.memref_slice %arg20[%dma_start3A_372, %dma_start3A_373] : memref<3x4x!tpu.dma_semaphore, #tpu.memory_space<semaphore_mem>> -> memref<1x1x!tpu.dma_semaphore, #tpu.memory_space<semaphore_mem>>
    %dma_start3A_375 = tpu.memref_squeeze %dma_start3A_374 : memref<1x1x!tpu.dma_semaphore, #tpu.memory_space<semaphore_mem>> -> memref<!tpu.dma_semaphore, #tpu.memory_space<semaphore_mem>>
    %dma_start3A_376 = arith.constant 768 : i32
    %dma_start3A_377 = arith.constant 0 : i32
    %dma_start3A_378 = tpu.memref_slice %arg19[%dma_start3A_376, %dma_start3A_377] : memref<1024x1024xf32, #tpu.memory_space<vmem>> -> memref<256x1024xf32, #tpu.memory_space<vmem>>
    %dma_start3A_379 = arith.constant 768 : i32
    %dma_start3A_380 = arith.constant 0 : i32
    %dma_start3A_381 = tpu.memref_slice %arg8[%dma_start3A_379, %dma_start3A_380] : memref<1024x1024xf32, #tpu.memory_space<hbm>> -> memref<256x1024xf32, #tpu.memory_space<hbm>>
    tpu.enqueue_dma source(%dma_start3A_381 : memref<256x1024xf32, #tpu.memory_space<hbm>>) target(%dma_start3A_378 : memref<256x1024xf32, #tpu.memory_space<vmem>>) target_semaphore(%dma_start3A_375 : memref<!tpu.dma_semaphore, #tpu.memory_space<semaphore_mem>>)
    %slice3A_382 = vector.extract_strided_slice %add3A_335 {offsets = [0, 256], sizes = [8, 256], strides = [1, 1]} : vector<8x1024xf32> to vector<8x256xf32>
    %get3A_383 = arith.constant 256 : index
    %get3A_384 = arith.constant 0 : index
    %get3A_385 = vector.load %arg18[%get3A_383, %get3A_384] : memref<1024x1024xf32, #tpu.memory_space<vmem>>, vector<256x1024xf32>
    %dot_general3A_386 = arith.constant dense<0.000000e+00> : vector<8x1024xf32>
    %dot_general3A_387 = tpu.matmul %slice3A_382, %get3A_385, %dot_general3A_386 {dimension_numbers = #tpu.dot_dimension_numbers<[1], [0], [0], [1], [0, 0, 1, 1], [], []>, transpose_lhs_hint = false} : vector<8x256xf32>, vector<256x1024xf32>, vector<8x1024xf32> -> vector<8x1024xf32>
    %add3A_388 = arith.addf %dot_general3A_361, %dot_general3A_387 : vector<8x1024xf32>
    %dma_wait3A_389 = arith.constant 1 : i32
    %dma_wait3A_390 = arith.constant 2 : i32
    %dma_wait3A_391 = tpu.memref_slice %arg20[%dma_wait3A_389, %dma_wait3A_390] : memref<3x4x!tpu.dma_semaphore, #tpu.memory_space<semaphore_mem>> -> memref<1x1x!tpu.dma_semaphore, #tpu.memory_space<semaphore_mem>>
    %dma_wait3A_392 = tpu.memref_squeeze %dma_wait3A_391 : memref<1x1x!tpu.dma_semaphore, #tpu.memory_space<semaphore_mem>> -> memref<!tpu.dma_semaphore, #tpu.memory_space<semaphore_mem>>
    %dma_wait3A_393 = arith.constant 512 : i32
    %dma_wait3A_394 = arith.constant 0 : i32
    %dma_wait3A_395 = tpu.memref_slice %arg18[%dma_wait3A_393, %dma_wait3A_394] : memref<1024x1024xf32, #tpu.memory_space<vmem>> -> memref<256x1024xf32, #tpu.memory_space<vmem>>
    %dma_wait3A_396 = arith.constant 512 : i32
    %dma_wait3A_397 = arith.constant 0 : i32
    %dma_wait3A_398 = tpu.memref_slice %arg6[%dma_wait3A_396, %dma_wait3A_397] : memref<1024x1024xf32, #tpu.memory_space<hbm>> -> memref<256x1024xf32, #tpu.memory_space<hbm>>
    tpu.wait_dma2 semaphore(%dma_wait3A_392 : memref<!tpu.dma_semaphore, #tpu.memory_space<semaphore_mem>>) src(%dma_wait3A_398 : memref<256x1024xf32, #tpu.memory_space<hbm>>) dst(%dma_wait3A_395 : memref<256x1024xf32, #tpu.memory_space<vmem>>)
    %slice3A_399 = vector.extract_strided_slice %add3A_335 {offsets = [0, 512], sizes = [8, 256], strides = [1, 1]} : vector<8x1024xf32> to vector<8x256xf32>
    %get3A_400 = arith.constant 512 : index
    %get3A_401 = arith.constant 0 : index
    %get3A_402 = vector.load %arg18[%get3A_400, %get3A_401] : memref<1024x1024xf32, #tpu.memory_space<vmem>>, vector<256x1024xf32>
    %dot_general3A_403 = arith.constant dense<0.000000e+00> : vector<8x1024xf32>
    %dot_general3A_404 = tpu.matmul %slice3A_399, %get3A_402, %dot_general3A_403 {dimension_numbers = #tpu.dot_dimension_numbers<[1], [0], [0], [1], [0, 0, 1, 1], [], []>, transpose_lhs_hint = false} : vector<8x256xf32>, vector<256x1024xf32>, vector<8x1024xf32> -> vector<8x1024xf32>
    %add3A_405 = arith.addf %add3A_388, %dot_general3A_404 : vector<8x1024xf32>
    %dma_wait3A_406 = arith.constant 1 : i32
    %dma_wait3A_407 = arith.constant 3 : i32
    %dma_wait3A_408 = tpu.memref_slice %arg20[%dma_wait3A_406, %dma_wait3A_407] : memref<3x4x!tpu.dma_semaphore, #tpu.memory_space<semaphore_mem>> -> memref<1x1x!tpu.dma_semaphore, #tpu.memory_space<semaphore_mem>>
    %dma_wait3A_409 = tpu.memref_squeeze %dma_wait3A_408 : memref<1x1x!tpu.dma_semaphore, #tpu.memory_space<semaphore_mem>> -> memref<!tpu.dma_semaphore, #tpu.memory_space<semaphore_mem>>
    %dma_wait3A_410 = arith.constant 768 : i32
    %dma_wait3A_411 = arith.constant 0 : i32
    %dma_wait3A_412 = tpu.memref_slice %arg18[%dma_wait3A_410, %dma_wait3A_411] : memref<1024x1024xf32, #tpu.memory_space<vmem>> -> memref<256x1024xf32, #tpu.memory_space<vmem>>
    %dma_wait3A_413 = arith.constant 768 : i32
    %dma_wait3A_414 = arith.constant 0 : i32
    %dma_wait3A_415 = tpu.memref_slice %arg6[%dma_wait3A_413, %dma_wait3A_414] : memref<1024x1024xf32, #tpu.memory_space<hbm>> -> memref<256x1024xf32, #tpu.memory_space<hbm>>
    tpu.wait_dma2 semaphore(%dma_wait3A_409 : memref<!tpu.dma_semaphore, #tpu.memory_space<semaphore_mem>>) src(%dma_wait3A_415 : memref<256x1024xf32, #tpu.memory_space<hbm>>) dst(%dma_wait3A_412 : memref<256x1024xf32, #tpu.memory_space<vmem>>)
    %slice3A_416 = vector.extract_strided_slice %add3A_335 {offsets = [0, 768], sizes = [8, 256], strides = [1, 1]} : vector<8x1024xf32> to vector<8x256xf32>
    %get3A_417 = arith.constant 768 : index
    %get3A_418 = arith.constant 0 : index
    %get3A_419 = vector.load %arg18[%get3A_417, %get3A_418] : memref<1024x1024xf32, #tpu.memory_space<vmem>>, vector<256x1024xf32>
    %dot_general3A_420 = arith.constant dense<0.000000e+00> : vector<8x1024xf32>
    %dot_general3A_421 = tpu.matmul %slice3A_416, %get3A_419, %dot_general3A_420 {dimension_numbers = #tpu.dot_dimension_numbers<[1], [0], [0], [1], [0, 0, 1, 1], [], []>, transpose_lhs_hint = false} : vector<8x256xf32>, vector<256x1024xf32>, vector<8x1024xf32> -> vector<8x1024xf32>
    %add3A_422 = arith.addf %add3A_405, %dot_general3A_421 : vector<8x1024xf32>
    %dot_general3A_423 = arith.constant dense<0.000000e+00> : vector<8x1024xf32>
    %dot_general3A_424 = tpu.matmul %max3A_227, %add3A_422, %dot_general3A_423 {dimension_numbers = #tpu.dot_dimension_numbers<[1], [0], [0], [1], [0, 0, 1, 1], [], []>, transpose_lhs_hint = false} : vector<8x8xf32>, vector<8x1024xf32>, vector<8x1024xf32> -> vector<8x1024xf32>
    %get3A_425 = arith.constant 0 : index
    %get3A_426 = arith.constant 0 : index
    %get3A_427 = vector.load %arg7[%get3A_425, %get3A_426] : memref<1x1024xf32, #tpu.memory_space<vmem>>, vector<1x1024xf32>
    %add3A_428 = vector.broadcast %get3A_427 : vector<1x1024xf32> to vector<8x1024xf32>
    %add3A_429 = arith.addf %dot_general3A_424, %add3A_428 : vector<8x1024xf32>
    %max3A_430 = arith.constant 0.000000e+00 : f32
    %max3A_431 = vector.broadcast %max3A_430 : f32 to vector<8x1024xf32>
    %max3A_432 = arith.maximumf %add3A_429, %max3A_431 : vector<8x1024xf32>
    %dma_wait3A_433 = arith.constant 2 : i32
    %dma_wait3A_434 = arith.constant 0 : i32
    %dma_wait3A_435 = tpu.memref_slice %arg20[%dma_wait3A_433, %dma_wait3A_434] : memref<3x4x!tpu.dma_semaphore, #tpu.memory_space<semaphore_mem>> -> memref<1x1x!tpu.dma_semaphore, #tpu.memory_space<semaphore_mem>>
    %dma_wait3A_436 = tpu.memref_squeeze %dma_wait3A_435 : memref<1x1x!tpu.dma_semaphore, #tpu.memory_space<semaphore_mem>> -> memref<!tpu.dma_semaphore, #tpu.memory_space<semaphore_mem>>
    %dma_wait3A_437 = arith.constant 0 : i32
    %dma_wait3A_438 = arith.constant 0 : i32
    %dma_wait3A_439 = tpu.memref_slice %arg19[%dma_wait3A_437, %dma_wait3A_438] : memref<1024x1024xf32, #tpu.memory_space<vmem>> -> memref<256x1024xf32, #tpu.memory_space<vmem>>
    %dma_wait3A_440 = arith.constant 0 : i32
    %dma_wait3A_441 = arith.constant 0 : i32
    %dma_wait3A_442 = tpu.memref_slice %arg8[%dma_wait3A_440, %dma_wait3A_441] : memref<1024x1024xf32, #tpu.memory_space<hbm>> -> memref<256x1024xf32, #tpu.memory_space<hbm>>
    tpu.wait_dma2 semaphore(%dma_wait3A_436 : memref<!tpu.dma_semaphore, #tpu.memory_space<semaphore_mem>>) src(%dma_wait3A_442 : memref<256x1024xf32, #tpu.memory_space<hbm>>) dst(%dma_wait3A_439 : memref<256x1024xf32, #tpu.memory_space<vmem>>)
    %slice3A_443 = vector.extract_strided_slice %max3A_432 {offsets = [0, 0], sizes = [8, 256], strides = [1, 1]} : vector<8x1024xf32> to vector<8x256xf32>
    %get3A_444 = arith.constant 0 : index
    %get3A_445 = arith.constant 0 : index
    %get3A_446 = vector.load %arg19[%get3A_444, %get3A_445] : memref<1024x1024xf32, #tpu.memory_space<vmem>>, vector<256x1024xf32>
    %dot_general3A_447 = arith.constant dense<0.000000e+00> : vector<8x1024xf32>
    %dot_general3A_448 = tpu.matmul %slice3A_443, %get3A_446, %dot_general3A_447 {dimension_numbers = #tpu.dot_dimension_numbers<[1], [0], [0], [1], [0, 0, 1, 1], [], []>, transpose_lhs_hint = false} : vector<8x256xf32>, vector<256x1024xf32>, vector<8x1024xf32> -> vector<8x1024xf32>
    %dma_wait3A_449 = arith.constant 2 : i32
    %dma_wait3A_450 = arith.constant 1 : i32
    %dma_wait3A_451 = tpu.memref_slice %arg20[%dma_wait3A_449, %dma_wait3A_450] : memref<3x4x!tpu.dma_semaphore, #tpu.memory_space<semaphore_mem>> -> memref<1x1x!tpu.dma_semaphore, #tpu.memory_space<semaphore_mem>>
    %dma_wait3A_452 = tpu.memref_squeeze %dma_wait3A_451 : memref<1x1x!tpu.dma_semaphore, #tpu.memory_space<semaphore_mem>> -> memref<!tpu.dma_semaphore, #tpu.memory_space<semaphore_mem>>
    %dma_wait3A_453 = arith.constant 256 : i32
    %dma_wait3A_454 = arith.constant 0 : i32
    %dma_wait3A_455 = tpu.memref_slice %arg19[%dma_wait3A_453, %dma_wait3A_454] : memref<1024x1024xf32, #tpu.memory_space<vmem>> -> memref<256x1024xf32, #tpu.memory_space<vmem>>
    %dma_wait3A_456 = arith.constant 256 : i32
    %dma_wait3A_457 = arith.constant 0 : i32
    %dma_wait3A_458 = tpu.memref_slice %arg8[%dma_wait3A_456, %dma_wait3A_457] : memref<1024x1024xf32, #tpu.memory_space<hbm>> -> memref<256x1024xf32, #tpu.memory_space<hbm>>
    tpu.wait_dma2 semaphore(%dma_wait3A_452 : memref<!tpu.dma_semaphore, #tpu.memory_space<semaphore_mem>>) src(%dma_wait3A_458 : memref<256x1024xf32, #tpu.memory_space<hbm>>) dst(%dma_wait3A_455 : memref<256x1024xf32, #tpu.memory_space<vmem>>)
    %slice3A_459 = vector.extract_strided_slice %max3A_432 {offsets = [0, 256], sizes = [8, 256], strides = [1, 1]} : vector<8x1024xf32> to vector<8x256xf32>
    %get3A_460 = arith.constant 256 : index
    %get3A_461 = arith.constant 0 : index
    %get3A_462 = vector.load %arg19[%get3A_460, %get3A_461] : memref<1024x1024xf32, #tpu.memory_space<vmem>>, vector<256x1024xf32>
    %dot_general3A_463 = arith.constant dense<0.000000e+00> : vector<8x1024xf32>
    %dot_general3A_464 = tpu.matmul %slice3A_459, %get3A_462, %dot_general3A_463 {dimension_numbers = #tpu.dot_dimension_numbers<[1], [0], [0], [1], [0, 0, 1, 1], [], []>, transpose_lhs_hint = false} : vector<8x256xf32>, vector<256x1024xf32>, vector<8x1024xf32> -> vector<8x1024xf32>
    %add3A_465 = arith.addf %dot_general3A_448, %dot_general3A_464 : vector<8x1024xf32>
    %dma_wait3A_466 = arith.constant 2 : i32
    %dma_wait3A_467 = arith.constant 2 : i32
    %dma_wait3A_468 = tpu.memref_slice %arg20[%dma_wait3A_466, %dma_wait3A_467] : memref<3x4x!tpu.dma_semaphore, #tpu.memory_space<semaphore_mem>> -> memref<1x1x!tpu.dma_semaphore, #tpu.memory_space<semaphore_mem>>
    %dma_wait3A_469 = tpu.memref_squeeze %dma_wait3A_468 : memref<1x1x!tpu.dma_semaphore, #tpu.memory_space<semaphore_mem>> -> memref<!tpu.dma_semaphore, #tpu.memory_space<semaphore_mem>>
    %dma_wait3A_470 = arith.constant 512 : i32
    %dma_wait3A_471 = arith.constant 0 : i32
    %dma_wait3A_472 = tpu.memref_slice %arg19[%dma_wait3A_470, %dma_wait3A_471] : memref<1024x1024xf32, #tpu.memory_space<vmem>> -> memref<256x1024xf32, #tpu.memory_space<vmem>>
    %dma_wait3A_473 = arith.constant 512 : i32
    %dma_wait3A_474 = arith.constant 0 : i32
    %dma_wait3A_475 = tpu.memref_slice %arg8[%dma_wait3A_473, %dma_wait3A_474] : memref<1024x1024xf32, #tpu.memory_space<hbm>> -> memref<256x1024xf32, #tpu.memory_space<hbm>>
    tpu.wait_dma2 semaphore(%dma_wait3A_469 : memref<!tpu.dma_semaphore, #tpu.memory_space<semaphore_mem>>) src(%dma_wait3A_475 : memref<256x1024xf32, #tpu.memory_space<hbm>>) dst(%dma_wait3A_472 : memref<256x1024xf32, #tpu.memory_space<vmem>>)
    %slice3A_476 = vector.extract_strided_slice %max3A_432 {offsets = [0, 512], sizes = [8, 256], strides = [1, 1]} : vector<8x1024xf32> to vector<8x256xf32>
    %get3A_477 = arith.constant 512 : index
    %get3A_478 = arith.constant 0 : index
    %get3A_479 = vector.load %arg19[%get3A_477, %get3A_478] : memref<1024x1024xf32, #tpu.memory_space<vmem>>, vector<256x1024xf32>
    %dot_general3A_480 = arith.constant dense<0.000000e+00> : vector<8x1024xf32>
    %dot_general3A_481 = tpu.matmul %slice3A_476, %get3A_479, %dot_general3A_480 {dimension_numbers = #tpu.dot_dimension_numbers<[1], [0], [0], [1], [0, 0, 1, 1], [], []>, transpose_lhs_hint = false} : vector<8x256xf32>, vector<256x1024xf32>, vector<8x1024xf32> -> vector<8x1024xf32>
    %add3A_482 = arith.addf %add3A_465, %dot_general3A_481 : vector<8x1024xf32>
    %dma_wait3A_483 = arith.constant 2 : i32
    %dma_wait3A_484 = arith.constant 3 : i32
    %dma_wait3A_485 = tpu.memref_slice %arg20[%dma_wait3A_483, %dma_wait3A_484] : memref<3x4x!tpu.dma_semaphore, #tpu.memory_space<semaphore_mem>> -> memref<1x1x!tpu.dma_semaphore, #tpu.memory_space<semaphore_mem>>
    %dma_wait3A_486 = tpu.memref_squeeze %dma_wait3A_485 : memref<1x1x!tpu.dma_semaphore, #tpu.memory_space<semaphore_mem>> -> memref<!tpu.dma_semaphore, #tpu.memory_space<semaphore_mem>>
    %dma_wait3A_487 = arith.constant 768 : i32
    %dma_wait3A_488 = arith.constant 0 : i32
    %dma_wait3A_489 = tpu.memref_slice %arg19[%dma_wait3A_487, %dma_wait3A_488] : memref<1024x1024xf32, #tpu.memory_space<vmem>> -> memref<256x1024xf32, #tpu.memory_space<vmem>>
    %dma_wait3A_490 = arith.constant 768 : i32
    %dma_wait3A_491 = arith.constant 0 : i32
    %dma_wait3A_492 = tpu.memref_slice %arg8[%dma_wait3A_490, %dma_wait3A_491] : memref<1024x1024xf32, #tpu.memory_space<hbm>> -> memref<256x1024xf32, #tpu.memory_space<hbm>>
    tpu.wait_dma2 semaphore(%dma_wait3A_486 : memref<!tpu.dma_semaphore, #tpu.memory_space<semaphore_mem>>) src(%dma_wait3A_492 : memref<256x1024xf32, #tpu.memory_space<hbm>>) dst(%dma_wait3A_489 : memref<256x1024xf32, #tpu.memory_space<vmem>>)
    %slice3A_493 = vector.extract_strided_slice %max3A_432 {offsets = [0, 768], sizes = [8, 256], strides = [1, 1]} : vector<8x1024xf32> to vector<8x256xf32>
    %get3A_494 = arith.constant 768 : index
    %get3A_495 = arith.constant 0 : index
    %get3A_496 = vector.load %arg19[%get3A_494, %get3A_495] : memref<1024x1024xf32, #tpu.memory_space<vmem>>, vector<256x1024xf32>
    %dot_general3A_497 = arith.constant dense<0.000000e+00> : vector<8x1024xf32>
    %dot_general3A_498 = tpu.matmul %slice3A_493, %get3A_496, %dot_general3A_497 {dimension_numbers = #tpu.dot_dimension_numbers<[1], [0], [0], [1], [0, 0, 1, 1], [], []>, transpose_lhs_hint = false} : vector<8x256xf32>, vector<256x1024xf32>, vector<8x1024xf32> -> vector<8x1024xf32>
    %add3A_499 = arith.addf %add3A_482, %dot_general3A_498 : vector<8x1024xf32>
    %dot_general3A_500 = arith.constant dense<0.000000e+00> : vector<8x1024xf32>
    %dot_general3A_501 = tpu.matmul %max3A_227, %add3A_499, %dot_general3A_500 {dimension_numbers = #tpu.dot_dimension_numbers<[1], [0], [0], [1], [0, 0, 1, 1], [], []>, transpose_lhs_hint = false} : vector<8x8xf32>, vector<8x1024xf32>, vector<8x1024xf32> -> vector<8x1024xf32>
    %get3A_502 = arith.constant 0 : index
    %get3A_503 = arith.constant 0 : index
    %get3A_504 = vector.load %arg9[%get3A_502, %get3A_503] : memref<1x1024xf32, #tpu.memory_space<vmem>>, vector<1x1024xf32>
    %add3A_505 = vector.broadcast %get3A_504 : vector<1x1024xf32> to vector<8x1024xf32>
    %add3A_506 = arith.addf %dot_general3A_501, %add3A_505 : vector<8x1024xf32>
    %get3A_507 = arith.constant 0 : index
    %get3A_508 = arith.constant 0 : index
    %get3A_509 = vector.load %arg10[%get3A_507, %get3A_508] : memref<1024x16xf32, #tpu.memory_space<vmem>>, vector<1024x16xf32>
    %dot_general3A_510 = arith.constant dense<0.000000e+00> : vector<8x16xf32>
    %dot_general3A_511 = tpu.matmul %add3A_506, %get3A_509, %dot_general3A_510 {dimension_numbers = #tpu.dot_dimension_numbers<[1], [0], [0], [1], [0, 0, 1, 1], [], []>, transpose_lhs_hint = false} : vector<8x1024xf32>, vector<1024x16xf32>, vector<8x16xf32> -> vector<8x16xf32>
    %get3A_512 = arith.constant 0 : index
    %get3A_513 = arith.constant 0 : index
    %get3A_514 = vector.load %arg11[%get3A_512, %get3A_513] : memref<1x16xf32, #tpu.memory_space<vmem>>, vector<1x16xf32>
    %add3A_515 = vector.broadcast %get3A_514 : vector<1x16xf32> to vector<8x16xf32>
    %add3A_516 = arith.addf %dot_general3A_511, %add3A_515 : vector<8x16xf32>
    %jit3A_517 = arith.constant 2 : i32
    %div3A = vector.broadcast %jit3A_517 : i32 to vector<8x8xi32>
    %div3A_518 = arith.divsi %iota3A, %div3A : vector<8x8xi32>
    %sign3A = arith.constant 0 : i32
    %sign3A_519 = vector.broadcast %sign3A : i32 to vector<8x8xi32>
    %sign3A_520 = arith.cmpi sgt, %iota3A, %sign3A_519 : vector<8x8xi32>
    %sign3A_521 = arith.extui %sign3A_520 : vector<8x8xi1> to vector<8x8xi32>
    %sign3A_522 = arith.constant 0 : i32
    %sign3A_523 = vector.broadcast %sign3A_522 : i32 to vector<8x8xi32>
    %sign3A_524 = arith.cmpi slt, %iota3A, %sign3A_523 : vector<8x8xi32>
    %sign3A_525 = arith.extui %sign3A_524 : vector<8x8xi1> to vector<8x8xi32>
    %sign3A_526 = arith.subi %sign3A_521, %sign3A_525 : vector<8x8xi32>
    %sign3A_527 = arith.constant 0 : i32
    %sign3A_528 = arith.cmpi sgt, %jit3A_517, %sign3A_527 : i32
    %sign3A_529 = arith.extui %sign3A_528 : i1 to i32
    %sign3A_530 = arith.constant 0 : i32
    %sign3A_531 = arith.cmpi slt, %jit3A_517, %sign3A_530 : i32
    %sign3A_532 = arith.extui %sign3A_531 : i1 to i32
    %sign3A_533 = arith.subi %sign3A_529, %sign3A_532 : i32
    %ne3A = vector.broadcast %sign3A_533 : i32 to vector<8x8xi32>
    %ne3A_534 = arith.cmpi ne, %sign3A_526, %ne3A : vector<8x8xi32>
    %rem3A_535 = vector.broadcast %jit3A_517 : i32 to vector<8x8xi32>
    %rem3A_536 = arith.remsi %iota3A, %rem3A_535 : vector<8x8xi32>
    %ne3A_537 = arith.constant 0 : i32
    %ne3A_538 = vector.broadcast %ne3A_537 : i32 to vector<8x8xi32>
    %ne3A_539 = arith.cmpi ne, %rem3A_536, %ne3A_538 : vector<8x8xi32>
    %and3A_540 = arith.andi %ne3A_534, %ne3A_539 : vector<8x8xi1>
    %sub3A = arith.constant 1 : i32
    %sub3A_541 = vector.broadcast %sub3A : i32 to vector<8x8xi32>
    %sub3A_542 = arith.subi %div3A_518, %sub3A_541 : vector<8x8xi32>
    %select_n3A_543 = arith.select %and3A_540, %sub3A_542, %div3A_518 : vector<8x8xi1>, vector<8x8xi32>
    %add3A_544 = arith.constant 2 : i32
    %add3A_545 = vector.broadcast %add3A_544 : i32 to vector<8x8xi32>
    %add3A_546 = arith.addi %add3A_545, %select_n3A_543 : vector<8x8xi32>
    %eq3A_547 = arith.cmpi eq, %iota3A_59, %add3A_546 : vector<8x8xi32>
    %jit3A_548 = arith.constant 1.000000e+00 : f32
    %jit3A_549 = arith.constant 0.000000e+00 : f32
    %broadcast_in_dim3A_550 = vector.broadcast %jit3A_548 : f32 to vector<8x8xf32>
    %broadcast_in_dim3A_551 = vector.broadcast %jit3A_549 : f32 to vector<8x8xf32>
    %select_n3A_552 = arith.select %eq3A_547, %broadcast_in_dim3A_550, %broadcast_in_dim3A_551 : vector<8x8xi1>, vector<8x8xf32>
    %dot_general3A_553 = arith.constant dense<0.000000e+00> : vector<8x16xf32>
    %dot_general3A_554 = tpu.matmul %select_n3A_552, %add3A_516, %dot_general3A_553 {dimension_numbers = #tpu.dot_dimension_numbers<[1], [0], [0], [1], [0, 0, 1, 1], [], []>, transpose_lhs_hint = false} : vector<8x8xf32>, vector<8x16xf32>, vector<8x16xf32> -> vector<8x16xf32>
    %rem3A_555 = arith.constant 2 : i32
    %rem3A_556 = vector.broadcast %rem3A_555 : i32 to vector<8x8xi32>
    %rem3A_557 = arith.remsi %iota3A, %rem3A_556 : vector<8x8xi32>
    %eq3A_558 = arith.constant 0 : i32
    %eq3A_559 = vector.broadcast %eq3A_558 : i32 to vector<8x8xi32>
    %eq3A_560 = arith.cmpi eq, %rem3A_557, %eq3A_559 : vector<8x8xi32>
    %slice3A_561 = vector.extract_strided_slice %dot_general3A_554 {offsets = [0, 0], sizes = [8, 8], strides = [1, 1]} : vector<8x16xf32> to vector<8x8xf32>
    %slice3A_562 = vector.extract_strided_slice %dot_general3A_554 {offsets = [0, 8], sizes = [8, 8], strides = [1, 1]} : vector<8x16xf32> to vector<8x8xf32>
    %select_n3A_563 = arith.select %eq3A_560, %slice3A_561, %slice3A_562 : vector<8x8xi1>, vector<8x8xf32>
    %reduce_max3A = arith.constant dense<0xFF800000> : vector<8xf32>
    %reduce_max3A_564 = vector.multi_reduction <maximumf>, %select_n3A_563, %reduce_max3A [1] : vector<8x8xf32> to vector<8xf32>
    %broadcast_in_dim3A_565 = vector.shape_cast %reduce_max3A_564 : vector<8xf32> to vector<8x1xf32>
    %sub3A_566 = vector.broadcast %broadcast_in_dim3A_565 : vector<8x1xf32> to vector<8x8xf32>
    %sub3A_567 = arith.subf %select_n3A_563, %sub3A_566 : vector<8x8xf32>
    %exp3A = math.exp %sub3A_567 : vector<8x8xf32>
    %mul3A = arith.mulf %exp3A, %get3A_64 : vector<8x8xf32>
    %reduce_sum3A = arith.constant dense<0.000000e+00> : vector<8xf32>
    %reduce_sum3A_568 = vector.multi_reduction <add>, %mul3A, %reduce_sum3A [1] : vector<8x8xf32> to vector<8xf32>
    %broadcast_in_dim3A_569 = vector.shape_cast %reduce_sum3A_568 : vector<8xf32> to vector<8x1xf32>
    %div3A_570 = vector.broadcast %broadcast_in_dim3A_569 : vector<8x1xf32> to vector<8x8xf32>
    %div3A_571 = arith.divf %mul3A, %div3A_570 : vector<8x8xf32>
    %jit3A_572 = arith.constant 9.99999974E-6 : f32
    %jit3A_573 = arith.constant 0.999989986 : f32
    %max3A_574 = vector.broadcast %jit3A_572 : f32 to vector<8x8xf32>
    %max3A_575 = arith.maximumf %max3A_574, %div3A_571 : vector<8x8xf32>
    %min3A = vector.broadcast %jit3A_573 : f32 to vector<8x8xf32>
    %min3A_576 = arith.minimumf %min3A, %max3A_575 : vector<8x8xf32>
    %log3A = math.log %min3A_576 : vector<8x8xf32>
    %mul3A_577 = arith.mulf %log3A, %div3A_571 : vector<8x8xf32>
    %reduce_sum3A_578 = vector.shape_cast %mul3A_577 : vector<8x8xf32> to vector<1x8x8xf32>
    %reduce_sum3A_579 = arith.constant dense<0.000000e+00> : vector<1xf32>
    %reduce_sum3A_580 = vector.multi_reduction <add>, %reduce_sum3A_578, %reduce_sum3A_579 [1, 2] : vector<1x8x8xf32> to vector<1xf32>
    %reduce_sum3A_581 = vector.shape_cast %reduce_sum3A_580 : vector<1xf32> to vector<1x1x1xf32>
    %reduce_sum3A_582 = vector.extract %reduce_sum3A_581[0, 0, 0] : f32 from vector<1x1x1xf32>
    %neg3A = arith.constant 0.000000e+00 : f32
    %neg3A_583 = arith.subf %neg3A, %reduce_sum3A_582 : f32
    %get3A_584 = arith.constant 0 : index
    %get3A_585 = arith.constant 0 : index
    %get3A_586 = vector.load %arg12[%get3A_584, %get3A_585] : memref<8x8xi32, #tpu.memory_space<vmem>>, vector<8x8xi32>
    %shift_right_logical3A = arith.constant 9 : i32
    %shift_right_logical3A_587 = vector.broadcast %shift_right_logical3A : i32 to vector<8x8xi32>
    %shift_right_logical3A_588 = arith.shrui %get3A_586, %shift_right_logical3A_587 : vector<8x8xi32>
    %or3A = arith.constant 1065353216 : i32
    %or3A_589 = vector.broadcast %or3A : i32 to vector<8x8xi32>
    %or3A_590 = arith.ori %shift_right_logical3A_588, %or3A_589 : vector<8x8xi32>
    %bitcast_convert_type3A = tpu.bitcast %or3A_590 : vector<8x8xi32> -> vector<8x8xf32>
    %sub3A_591 = arith.constant 1.000000e+00 : f32
    %sub3A_592 = vector.broadcast %sub3A_591 : f32 to vector<8x8xf32>
    %sub3A_593 = arith.subf %bitcast_convert_type3A, %sub3A_592 : vector<8x8xf32>
    %sub3A_594 = arith.constant 1.000000e+00 : f32
    %sub3A_595 = arith.constant 1.17549435E-38 : f32
    %sub3A_596 = arith.subf %sub3A_594, %sub3A_595 : f32
    %mul3A_597 = vector.broadcast %sub3A_596 : f32 to vector<8x8xf32>
    %mul3A_598 = arith.mulf %sub3A_593, %mul3A_597 : vector<8x8xf32>
    %add3A_599 = arith.constant 1.17549435E-38 : f32
    %add3A_600 = vector.broadcast %add3A_599 : f32 to vector<8x8xf32>
    %add3A_601 = arith.addf %mul3A_598, %add3A_600 : vector<8x8xf32>
    %max3A_602 = arith.constant 1.17549435E-38 : f32
    %max3A_603 = vector.broadcast %max3A_602 : f32 to vector<8x8xf32>
    %max3A_604 = arith.maximumf %max3A_603, %add3A_601 : vector<8x8xf32>
    %log3A_605 = math.log %max3A_604 : vector<8x8xf32>
    %neg3A_606 = arith.constant 0.000000e+00 : f32
    %neg3A_607 = vector.broadcast %neg3A_606 : f32 to vector<8x8xf32>
    %neg3A_608 = arith.subf %neg3A_607, %log3A_605 : vector<8x8xf32>
    %log3A_609 = math.log %neg3A_608 : vector<8x8xf32>
    %neg3A_610 = arith.constant 0.000000e+00 : f32
    %neg3A_611 = vector.broadcast %neg3A_610 : f32 to vector<8x8xf32>
    %neg3A_612 = arith.subf %neg3A_611, %log3A_609 : vector<8x8xf32>
    %gt3A = arith.constant 0.000000e+00 : f32
    %gt3A_613 = vector.broadcast %gt3A : f32 to vector<8x8xf32>
    %gt3A_614 = arith.cmpf ogt, %get3A_64, %gt3A_613 : vector<8x8xf32>
    %jit3A_615 = arith.constant 9.99999996E-13 : f32
    %jit3A_616 = arith.constant 1.000000e+00 : f32
    %max3A_617 = vector.broadcast %jit3A_615 : f32 to vector<8x8xf32>
    %max3A_618 = arith.maximumf %max3A_617, %div3A_571 : vector<8x8xf32>
    %min3A_619 = vector.broadcast %jit3A_616 : f32 to vector<8x8xf32>
    %min3A_620 = arith.minimumf %min3A_619, %max3A_618 : vector<8x8xf32>
    %log3A_621 = math.log %min3A_620 : vector<8x8xf32>
    %jit3A_622 = arith.constant -1.000000e+09 : f32
    %broadcast_in_dim3A_623 = vector.broadcast %jit3A_622 : f32 to vector<8x8xf32>
    %select_n3A_624 = arith.select %gt3A_614, %log3A_621, %broadcast_in_dim3A_623 : vector<8x8xi1>, vector<8x8xf32>
    %add3A_625 = arith.addf %select_n3A_624, %neg3A_612 : vector<8x8xf32>
    %reduce_max3A_626 = arith.constant dense<0xFF800000> : vector<8xf32>
    %reduce_max3A_627 = vector.multi_reduction <maximumf>, %add3A_625, %reduce_max3A_626 [1] : vector<8x8xf32> to vector<8xf32>
    %broadcast_in_dim3A_628 = vector.shape_cast %reduce_max3A_627 : vector<8xf32> to vector<8x1xf32>
    %eq3A_629 = vector.broadcast %broadcast_in_dim3A_628 : vector<8x1xf32> to vector<8x8xf32>
    %eq3A_630 = arith.cmpf oeq, %add3A_625, %eq3A_629 : vector<8x8xf32>
    %jit3A_631 = arith.constant 8 : i32
    %broadcast_in_dim3A_632 = vector.broadcast %jit3A_631 : i32 to vector<8x8xi32>
    %select_n3A_633 = arith.select %eq3A_630, %iota3A_59, %broadcast_in_dim3A_632 : vector<8x8xi1>, vector<8x8xi32>
    %reduce_min3A = arith.constant dense<2147483647> : vector<8xi32>
    %reduce_min3A_634 = vector.multi_reduction <minsi>, %select_n3A_633, %reduce_min3A [1] : vector<8x8xi32> to vector<8xi32>
    %broadcast_in_dim3A_635 = vector.shape_cast %reduce_min3A_634 : vector<8xi32> to vector<8x1xi32>
    %eq3A_636 = vector.broadcast %broadcast_in_dim3A_635 : vector<8x1xi32> to vector<8x8xi32>
    %eq3A_637 = arith.cmpi eq, %iota3A_59, %eq3A_636 : vector<8x8xi32>
    %jit3A_638 = arith.constant 0.000000e+00 : f32
    %broadcast_in_dim3A_639 = vector.broadcast %jit3A_638 : f32 to vector<8x8xf32>
    %select_n3A_640 = arith.select %eq3A_637, %log3A, %broadcast_in_dim3A_639 : vector<8x8xi1>, vector<8x8xf32>
    %reduce_sum3A_641 = vector.shape_cast %select_n3A_640 : vector<8x8xf32> to vector<1x8x8xf32>
    %reduce_sum3A_642 = arith.constant dense<0.000000e+00> : vector<1xf32>
    %reduce_sum3A_643 = vector.multi_reduction <add>, %reduce_sum3A_641, %reduce_sum3A_642 [1, 2] : vector<1x8x8xf32> to vector<1xf32>
    %reduce_sum3A_644 = vector.shape_cast %reduce_sum3A_643 : vector<1xf32> to vector<1x1x1xf32>
    %reduce_sum3A_645 = vector.extract %reduce_sum3A_644[0, 0, 0] : f32 from vector<1x1x1xf32>
    %get3A_646 = arith.constant 0 : index
    %get3A_647 = arith.constant 1 : index
    %get3A_648 = vector.load %arg1[%get3A_646, %get3A_647] : memref<8x3xi32, #tpu.memory_space<vmem>>, vector<8x2xi32>
    %concatenate3A = tpu.concatenate %broadcast_in_dim3A_635, %get3A_648 in 1 : vector<8x1xi32>, vector<8x2xi32> -> vector<8x3xi32>
    %swap3A = arith.constant 0 : index
    %swap3A_649 = arith.constant 0 : index
    %swap3A_650 = vector.load %arg13[%swap3A, %swap3A_649] : memref<8x3xi32, #tpu.memory_space<vmem>>, vector<8x3xi32>
    tpu.vector_store %arg13[%swap3A, %swap3A_649], %concatenate3A {strides = array<i32>} : memref<8x3xi32, #tpu.memory_space<vmem>>, vector<8x3xi32>,
    %swap3A_651 = memref.load %arg14[] : memref<f32, #tpu.memory_space<smem>>
    memref.store %reduce_sum3A_645, %arg14[] : memref<f32, #tpu.memory_space<smem>>
    %swap3A_652 = memref.load %arg15[] : memref<f32, #tpu.memory_space<smem>>
    memref.store %neg3A_583, %arg15[] : memref<f32, #tpu.memory_space<smem>>
    %transpose3A = tpu.transpose %div3A_571, [1, 0] : vector<8x8xf32> -> vector<8x8xf32>
    %swap3A_653 = arith.constant 0 : index
    %swap3A_654 = arith.constant 0 : index
    %swap3A_655 = vector.load %arg16[%swap3A_653, %swap3A_654] : memref<8x8xf32, #tpu.memory_space<vmem>>, vector<8x8xf32>
    tpu.vector_store %arg16[%swap3A_653, %swap3A_654], %transpose3A {strides = array<i32>} : memref<8x8xf32, #tpu.memory_space<vmem>>, vector<8x8xf32>,
    return
  }
}

</mosaic_0001>

<sc_bundles>
// kernel: kernel.4.cloned.1.call-start
scs
__scs_entry_jumppad:
0x0: {  	(pc) =	sbr.rel $0x88, $3  }
0x1: {  	(tag) =	ssettag $0x0;
	lr =	simm.s32 $0x1  }
0x2: {  	[smem:$0x3F95] =	sst lr;
	_ =	strace $0xD0000000  }
0x3: {  	_ = 	snop  }
0x4: {  	_ = 	snop  }
0x5: {  	_ = 	snop  }
0x6: {  	_ = 	snop  }
0x7: {  	_ = 	snop  }
__scs_overlays_trampoline_lowered:
0x8: {  	[smem:$0x3FA4] =	sst s0  }
0x9: {  	[smem:$0x3FA5] =	sst s1  }
0xa: {  	[smem:$0x3FA6] =	sst s2  }
0xb: {  	[smem:$0x3FA7] =	sst s3  }
0xc: {  	[smem:$0x3FA8] =	sst s4  }
0xd: {  	[smem:$0x3FA9] =	sst s5  }
0xe: {  	[smem:$0x3FAA] =	sst s6  }
0xf: {  	[smem:$0x3FAB] =	sst s7  }
0x10: {  	[smem:$0x3FAC] =	sst s8  }
0x11: {  	[smem:$0x3FAD] =	sst s9;
	s0 =	simm.s32 @!p0 $0x0  }
0x12: {  	s1 =	sld [smem:$0x3F93];
	s0 =	simm.s32 @p0 $0x1  }
0x13: {  	[smem:$0x3FAE] =	sst s0;
	s0 =	simm.s32 @!p1 $0x0  }
0x14: {  	s2 =	sld [smem:$0x3F92];
	s0 =	simm.s32 @p1 $0x1  }
0x15: {  	[smem:$0x3FAF] =	sst s0;
	s0 =	simm.s32 @!p2 $0x0  }
0x16: {  	s3 =	sld [smem:$0x3FDB];
	s0 =	simm.s32 @p2 $0x1  }
0x17: {  	s4 =	simm.s32 $0x1BF5;
	[smem:$0x3FB1] =	sst s0  }
0x18: {  	s0 =	sld [smem:$0x3F94];
	_ =	swait.ge [sflag:s4], $0x0  }
0x19: {  	s7 =	sld [smem:$0x3F95]  }
0x1a: {  	s8 =	sadd.s32 $0xFFFFE003, lr  }
0x1b: {  	s9 =	sadd.s32 $0xFFFFFEF7, lr;
	s5 =	simm.s32 $0xFFFFFFFF;
	p2 =	slt.u32 s8, $0xFFFFF086  }
0x1c: {  	p1 =	slt.u32 s9, $0xF7A;
	s5 =	simm.s32 @!p2 $0x0  }
0x1d: {  	s5 =	simm.s32 @p1 $0x1;
	p0 =	seq.s32 s7, s2  }
0x1e: {  	s7 =	smul.u32 @!p0 $0xF7A, s2;
	p2 =	seq.s32 @!p0 s5, $0x0  }
0x1f: {  	s9 =	smul.u32 $0xF7A, s1;
	s8 =	simm.s32 @!p0 $0x1BF5;
	p2 =	por !p2, p0  }
0x20: {  	[sflag:s8] =	ssyncset.s32 @!p0 $0xFFFFF086;
	s6 =	sadd.s32 @!p0 s3, s7;
	s7 =	simm.s32 @!p0 $0x108  }
0x21: {  	s3 =	sadd.s32 s3, s9;
	s6 =	sadd.s32 @!p0 $0x88, s6;
	s7 =	simm.s32 @p2 $0x1082  }
0x22: {  	[simem:s7], [sflag:s8] =	dma.local @!p0 [hbm:s6], $0xF7A  }
0x23: {  	s9 =	sor.u32 $0xD0000000, s2;
	s6 =	simm.s32 $0x108;
	_ =	swait.ge @!p0 [sflag:s8], $0x0  }
0x24: {  	s3 =	sadd.s32 $0x88, s3;
	s6 =	simm.s32 @!p1 $0x1082;
	[sflag:s4] =	ssyncset.s32 $0xFFFFF086  }
0x25: {  	[simem:s6], [sflag:s4] =	dma.local [hbm:s3], $0xF7A  }
0x26: {  	[smem:$0x3F95] =	sst s1;
	(tag) =	ssettag s2;
	_ =	strace s9  }
0x27: {  	s1 =	sld [smem:$0x3FA5]  }
0x28: {  	s2 =	sld [smem:$0x3FA6]  }
0x29: {  	s4 =	sld [smem:$0x3FA8]  }
0x2a: {  	p0 =	seq.s32 s5, $0x0;
	s5 =	sld [smem:$0x3FA9]  }
0x2b: {  	s6 =	sld [smem:$0x3FAA]  }
0x2c: {  	s7 =	sld [smem:$0x3FAB]  }
0x2d: {  	s3 =	simm.s32 $0x108;
	s8 =	sld [smem:$0x3FAC]  }
0x2e: {  	s3 =	simm.s32 @!p0 $0x1082;
	s9 =	sld [smem:$0x3FAD]  }
0x2f: {  	lr =	sadd.s32 s0, s3;
	s0 =	sld [smem:$0x3FA4]  }
0x30: {  	s3 =	sld [smem:$0x3FA7]  }
0x31: {  	[smem:$0x3FB0] =	sst s10  }
0x32: {  	s10 =	sld [smem:$0x3FAE];
	_ =	sdelay $0x3  }
0x33: {  	p0 =	seq.s32 s10, $0x1;
	s10 =	sld [smem:$0x3FB0];
	_ =	sdelay $0x3  }
0x34: {  	[smem:$0x3FB0] =	sst s10  }
0x35: {  	s10 =	sld [smem:$0x3FAF];
	_ =	sdelay $0x3  }
0x36: {  	p1 =	seq.s32 s10, $0x1;
	s10 =	sld [smem:$0x3FB0];
	_ =	sdelay $0x3  }
0x37: {  	[smem:$0x3FB0] =	sst s10  }
0x38: {  	s10 =	sld [smem:$0x3FB1]  }
0x39: {  	_ = 	snop;
	(pc) =	sbr.ind lr, $3  }
0x3a: {  	_ = 	snop  }
0x3b: {  	_ = 	snop  }
0x3c: {  	p2 =	seq.s32 s10, $0x1;
	s10 =	sld [smem:$0x3FB0]  }
0x3d: {  	_ =	shalt  }
0x3e: {  	_ =	shalt  }
0x3f: {  	_ =	shalt  }
0x40: {  	_ =	shalt  }
0x41: {  	_ =	shalt  }
0x42: {  	_ =	shalt  }
0x43: {  	_ =	shalt  }
0x44: {  	_ =	shalt  }
0x45: {  	_ =	shalt  }
0x46: {  	_ =	shalt  }
0x47: {  	_ =	shalt  }
0x48: {  	_ =	shalt  }
0x49: {  	_ =	shalt  }
0x4a: {  	_ =	shalt  }
0x4b: {  	_ =	shalt  }
0x4c: {  	_ =	shalt  }
0x4d: {  	_ =	shalt  }
0x4e: {  	_ =	shalt  }
0x4f: {  	_ =	shalt  }
0x50: {  	_ =	shalt  }
0x51: {  	_ =	shalt  }
0x52: {  	_ =	shalt  }
0x53: {  	_ =	shalt  }
0x54: {  	_ =	shalt  }
0x55: {  	_ =	shalt  }
0x56: {  	_ =	shalt  }
0x57: {  	_ =	shalt  }
0x58: {  	_ =	shalt  }
0x59: {  	_ =	shalt  }
0x5a: {  	_ =	shalt  }
0x5b: {  	_ =	shalt  }
0x5c: {  	_ =	shalt  }
0x5d: {  	_ =	shalt  }
0x5e: {  	_ =	shalt  }
0x5f: {  	_ =	shalt  }
0x60: {  	_ =	shalt  }
0x61: {  	_ =	shalt  }
0x62: {  	_ =	shalt  }
0x63: {  	_ =	shalt  }
0x64: {  	_ =	shalt  }
0x65: {  	_ =	shalt  }
0x66: {  	_ =	shalt  }
0x67: {  	_ =	shalt  }
0x68: {  	_ =	shalt  }
0x69: {  	_ =	shalt  }
0x6a: {  	_ =	shalt  }
0x6b: {  	_ =	shalt  }
0x6c: {  	_ =	shalt  }
0x6d: {  	_ =	shalt  }
0x6e: {  	_ =	shalt  }
0x6f: {  	_ =	shalt  }
0x70: {  	_ =	shalt  }
0x71: {  	_ =	shalt  }
0x72: {  	_ =	shalt  }
0x73: {  	_ =	shalt  }
0x74: {  	_ =	shalt  }
0x75: {  	_ =	shalt  }
0x76: {  	_ =	shalt  }
0x77: {  	_ =	shalt  }
0x78: {  	_ =	shalt  }
0x79: {  	_ =	shalt  }
0x7a: {  	_ =	shalt  }
0x7b: {  	_ =	shalt  }
0x7c: {  	_ =	shalt  }
0x7d: {  	_ =	shalt  }
0x7e: {  	_ =	shalt  }
0x7f: {  	_ =	shalt  }
0x80: {  	_ =	shalt  }
0x81: {  	_ =	shalt  }
0x82: {  	_ =	shalt  }
0x83: {  	_ =	shalt  }
0x84: {  	_ =	shalt  }
0x85: {  	_ =	shalt  }
0x86: {  	_ =	shalt  }
0x87: {  	_ =	shalt  }
.Lfunc_end0:
.L_simem_size_0:
called_computation_lowered:
.L_overlay_start_0:
0x88: {  	s0 =	sld [smem:$0x3FD9]  }
0x89: {  	s1 =	sld [smem:$0x3FFE];
	_ =	sdelay $0x3  }
0x8a: {  	s0 =	sadd.s32 s1, s0  }
0x8b: {  	[smem:$0x3FBC] =	sst s0  }
0x8c: {  	_ = 	snop  }
0x8d: {  	s0 =	sld [smem:$0x3FD0];
	_ =	sdelay $0x1  }
0x8e: {  	s13 =	sld [smem:$0x3FC8]  }
0x8f: {  	s3 =	simm.s32 $0xA;
	s4 =	simm.s32 $0x10;
	s2 =	sld [smem:$0x3FC7]  }
0x90: {  	[smem:s4], [sflag:s3] =	dma.local [hbm:s0], $0x1  }
0x91: {  	_ =	swait.eq [sflag:s3], $0x1  }
0x92: {  	s14 =	sld [smem:$0x10];
	[sflag:s3] =	ssyncset.done $0x0  }
0x93: {  	s15 =	sld [smem:$0x11];
	[sflag:s3] =	ssyncadd.s32 $0xFFFFFFFF  }
0x94: {  	s16 =	sld [smem:$0x12];
	(tm) =	ssettm $0x1  }
0x95: {  	s5 =	sld [smem:$0x3FFB];
	_ =	sdelay $0x3  }
0x96: {  	_ =	strace s5  }
0x97: {  	s5 =	sld [smem:$0x3FFC];
	_ =	sdelay $0x3  }
0x98: {  	_ =	strace s5  }
0x99: {  	s5 =	sld [smem:$0x3FFD];
	_ =	sdelay $0x3  }
0x9a: {  	_ =	strace s5  }
0x9b: {  	_ =	strace $0x8FFFFFFF  }
0x9c: {  	s17 =	sld [smem:$0x3FDB];
	_ =	sdelay $0x1  }
0x9d: {  	s6 =	simm.s32 $_scs_section_size  }
0x9e: {  	s7 =	simm.s32 $_size__tile_overlayer_lowered;
	s8 =	simm.s32 $_tile_overlayer_lowered  }
0x9f: {  	s20 =	simm.s32 $0x1BFF;
	s19 =	sshll.u32 s8, $0x1;
	s5 =	sadd.s32 s6, s17  }
0xa0: {  	s9 =	simm.s32 $0x0;
	s18 =	sshll.u32 s7, $0x1;
	s7 =	sadd.s32 s19, s5  }
0xa1: {  	[timem:s9], [sflag:s20] =	dma.local [hbm:s7], s18  }
0xa2: {  	_ =	swait.ge [sflag:s20], s18  }
0xa3: {  	s6 =	ssub.s32 $0x0, s18;
	[sflag:s20] =	ssyncset.done $0x0  }
0xa4: {  	[sflag:s20] =	ssyncadd.s32 s6;
	_ =	sdelay $0x1  }
0xa5: {  	s21 =	simm.s32 $0x1B8B  }
0xa6: {  	_ =	swait.ge [sflag:s21], $0x1  }
0xa7: {  	[sflag:s21] =	ssyncset.done $0x0  }
0xa8: {  	s23 =	simm.s32 $0x1B8E;
	s22 =	sld [smem:$0x3FFE];
	[sflag:s21] =	ssyncadd.s32 $0xFFFFFFFF  }
0xa9: {  	s24 =	simm.s32 $execute0_lowered;
	[smem:$0x3FD2] =	sst s23  }
0xaa: {  	s7 =	sshll.u32 s24, $0x1;
	_ =	strace $0x80000046;
	[dreg:$0x1] =	wrdreg $0xFFFFFFFF  }
0xab: {  	s25 =	simm.s32 $_size_execute0_lowered;
	s5 =	sadd.s32 s5, s7;
	[dreg:$0x0] =	wrdreg $0x0  }
0xac: {  	s7 =	sshll.u32 s25, $0x1;
	[dreg:$0x2] =	wrdreg s5  }
0xad: {  	[dreg:$0x3] =	wrdreg s7  }
0xae: {  	[dreg:$0x4] =	wrdreg $0xC0  }
0xaf: {  	_ =	task [dreg:s9], $0x5FFFF  }
0xb0: {  	[dreg:$0x1] =	wrdreg $0xFFFFFFFF  }
0xb1: {  	[dreg:$0x0] =	wrdreg $0x60  }
0xb2: {  	[dreg:$0x2] =	wrdreg s16  }
0xb3: {  	[dreg:$0x3] =	wrdreg s2  }
0xb4: {  	[dreg:$0x4] =	wrdreg s13  }
0xb5: {  	[dreg:$0x5] =	wrdreg s15  }
0xb6: {  	[dreg:$0x6] =	wrdreg s22  }
0xb7: {  	[dreg:$0x7] =	wrdreg s14  }
0xb8: {  	[dreg:$0x8] =	wrdreg $0x9  }
0xb9: {  	_ =	task.clear_ibuf [dreg:s9], $0x9FFFF;
	_ =	strace $0x90000046  }
0xba: {  	s26 =	simm.s32 $0x9;
	_ =	strace $0x80000048  }
0xbb: {  	_ =	swait.ge [sflag:s26], $0x1  }
0xbc: {  	[sflag:s26] =	ssyncadd.s32 $0xFFFFFFFF  }
0xbd: {  	_ =	strace $0x90000048  }
0xbe: {  	_ =	sfence  }
0xbf: {  	s28 =	sld [smem:$0x0];
	_ =	sdelay $0x1  }
0xc0: {  	s29 =	srdreg.scid  }
0xc1: {  	s30 =	sshll.u32 s29, $0xD;
	s31 =	sshrl.u32 s29, $0x2  }
0xc2: {  	s1 =	sand.u32 $0x1, s29;
	s2 =	sand.u32 $0x4000, s30;
	s0 =	sadd.s32 s31, s28  }
0xc3: {  	s1 =	sor.u32 s2, s1;
	s0 =	sshll.u32 s0, $0x11  }
0xc4: {  	s0 =	sor.u32 s0, s1  }
0xc5: {  	s0 =	sadd.s32 $0x8F2B, s0  }
0xc6: {  	[sflag:s0] =	ssyncadd.remote.s32 $0x1  }
0xc7: {  	_ =	sfence.sel $0xFFFF  }
0xc8: {  	[dreg:$0x0] =	wrdreg $0xFFFFFFFF;
	(pc) =	sbr.abs _section_cstart, $3  }
0xc9: {  	[dreg:$0x1] =	wrdreg $0xFFFFFFFF  }
0xca: {  	_ =	task.clear_ibuf [dreg:s9], $0x2FFFF;
	_ =	strace $0x9FFFFFFF  }
0xcb: {  	(tm) =	ssettm $0x7FFFFFFF  }
tec
execute0_lowered:
.L_overlay_start_1:
0x0: {  	(tag) =	ssettag $0x1  }
0x1: {  	s3 =	rddreg [dreg:$0x0]  }
0x2: {  	s6 =	rddreg [dreg:$0x1];
	s8 =	stileid.u32  }
0x3: {  	s5 =	rddreg [dreg:$0x2];
	p0 =	sne.s32 s8, $0x0  }
.Ltmp0:
0x4: {  	s7 =	rddreg [dreg:$0x3];
	(pc) =	sbr.rel @p0 .LBB2_2-.Ltmp0, $4  }
0x5: {  	s4 =	rddreg [dreg:$0x4]  }
0x6: {  	s1 =	rddreg [dreg:$0x5];
	s2 =	simm.s32 $0x0  }
0x7: {  	[smem:$0x7FF] =	sst s2  }
0x8: {  	s0 =	rddreg [dreg:$0x6];
	_ =	strace $0x80000047  }
0x9: {  	[tilespmem:s2], [sflag:$0x1] =	stream.linear.gather [hbm4b:s3+s2], $0x80, $0x38;
	[tilespmem:$0x180] =	vst v63  }
0xa: {  	s3 =	simm.s32 $0x1  }
0xb: {  	_ =	swait.ge [sflag:s3], $0x80  }
0xc: {  	[sflag:s3] =	ssyncset.done $0x0  }
0xd: {  	s9 =	simm.s32 $0x100;
	[sflag:s3] =	ssyncadd.s32 $0xFFFFFF80  }
0xe: {  	[tilespmem:s9], [sflag:$0x1] =	stream.linear.gather [hbm4b:s7+s2], $0x80, $0x38;
	[tilespmem:$0x180] =	vst v63  }
0xf: {  	_ =	swait.ge [sflag:s3], $0x80  }
0x10: {  	[sflag:s3] =	ssyncset.done $0x0  }
0x11: {  	[sflag:s3] =	ssyncadd.s32 $0xFFFFFF80  }
0x12: {  	v0 =	vld [tilespmem:$0x0]  }
0x13: {  	s15 =	sshll.u32 s8, $0x6;
	s8 =	sadd.s32 $0x1C00, s4;
	s10 =	simm.s32 $0x2  }
0x14: {  	s4 =	simm.s32 $0x80;
	s7 =	sor.u32 $0x1C01, s15;
	s9 =	simm.s32 $0x20  }
0x15: {  	[hbm:s8@s4], [sflag:s7] =	dma.strided [hbm:s5@s9], $0x100, s10, $0x10   }
0x16: {  	_ =	swait.ge [sflag:s3], $0x100  }
0x17: {  	(v2sf) =	vpush v0, $0x0;
	_ =	sdelay $0xe  }
0x18: {  	s10 =	spop (v2sf)  }
0x19: {  	s11 =	sshll.u32 s10, $0x9;
	s12 =	sshll.u32 s10, $0x7  }
0x1a: {  	s11 =	sand.u32 $0xFFFFF000, s11;
	s12 =	sand.u32 $0x380, s12  }
0x1b: {  	s11 =	sor.u32 s12, s11  }
0x1c: {  	[sflag:s3] =	ssyncset.done $0x0;
	s11 =	sshrl.u32 s11, $0x3  }
0x1d: {  	s16 =	sadd.s32 $0x20, s8;
	[sflag:s3] =	ssyncadd.s32 $0xFFFFFF00;
	s11 =	sadd.s32 s6, s11  }
0x1e: {  	[hbm:s16@s4], [sflag:s7] =	dma.strided [hbm:s11@s4], $0x40, s3, $0x10   }
0x1f: {  	_ =	swait.ge [sflag:s3], $0x40  }
0x20: {  	(v2sf) =	vpush v0, $0x1;
	_ =	sdelay $0xe  }
0x21: {  	s11 =	spop (v2sf)  }
0x22: {  	s17 =	sshll.u32 s11, $0x9;
	s13 =	sshll.u32 s11, $0x7  }
0x23: {  	s12 =	sand.u32 $0xFFFFF000, s17;
	s13 =	sand.u32 $0x380, s13  }
0x24: {  	s12 =	sor.u32 s13, s12  }
0x25: {  	[sflag:s3] =	ssyncset.done $0x0;
	s12 =	sshrl.u32 s12, $0x3  }
0x26: {  	s18 =	sadd.s32 $0x220, s8;
	[sflag:s3] =	ssyncadd.s32 $0xFFFFFFC0;
	s12 =	sadd.s32 s6, s12  }
0x27: {  	[hbm:s18@s4], [sflag:s7] =	dma.strided [hbm:s12@s4], $0x40, s3, $0x10   }
0x28: {  	_ =	swait.ge [sflag:s3], $0x40  }
0x29: {  	(v2sf) =	vpush v0, $0x2;
	_ =	sdelay $0xe  }
0x2a: {  	s12 =	spop (v2sf)  }
0x2b: {  	s19 =	sshll.u32 s12, $0x9;
	s14 =	sshll.u32 s12, $0x7  }
0x2c: {  	s13 =	sand.u32 $0xFFFFF000, s19;
	s14 =	sand.u32 $0x380, s14  }
0x2d: {  	s13 =	sor.u32 s14, s13  }
0x2e: {  	[sflag:s3] =	ssyncset.done $0x0;
	s13 =	sshrl.u32 s13, $0x3  }
0x2f: {  	s20 =	sadd.s32 $0x30, s8;
	[sflag:s3] =	ssyncadd.s32 $0xFFFFFFC0;
	s13 =	sadd.s32 s6, s13  }
0x30: {  	[hbm:s20@s4], [sflag:s7] =	dma.strided [hbm:s13@s4], $0x40, s3, $0x10   }
0x31: {  	_ =	swait.ge [sflag:s3], $0x40  }
0x32: {  	(v2sf) =	vpush v0, $0x3;
	_ =	sdelay $0xe  }
0x33: {  	s13 =	spop (v2sf)  }
0x34: {  	s21 =	sshll.u32 s13, $0x9;
	s15 =	sshll.u32 s13, $0x7  }
0x35: {  	s14 =	sand.u32 $0xFFFFF000, s21;
	s15 =	sand.u32 $0x380, s15  }
0x36: {  	s14 =	sor.u32 s15, s14  }
0x37: {  	[sflag:s3] =	ssyncset.done $0x0;
	s14 =	sshrl.u32 s14, $0x3  }
0x38: {  	s22 =	sadd.s32 $0x230, s8;
	[sflag:s3] =	ssyncadd.s32 $0xFFFFFFC0;
	s14 =	sadd.s32 s6, s14  }
0x39: {  	[hbm:s22@s4], [sflag:s7] =	dma.strided [hbm:s14@s4], $0x40, s3, $0x10   }
0x3a: {  	_ =	swait.ge [sflag:s3], $0x40  }
0x3b: {  	(v2sf) =	vpush v0, $0x4;
	_ =	sdelay $0xe  }
0x3c: {  	s14 =	spop (v2sf)  }
0x3d: {  	s23 =	sshll.u32 s14, $0x9;
	s16 =	sshll.u32 s14, $0x7  }
0x3e: {  	s15 =	sand.u32 $0xFFFFF000, s23;
	s16 =	sand.u32 $0x380, s16  }
0x3f: {  	s15 =	sor.u32 s16, s15  }
0x40: {  	[sflag:s3] =	ssyncset.done $0x0;
	s15 =	sshrl.u32 s15, $0x3  }
0x41: {  	s24 =	sadd.s32 $0x40, s8;
	[sflag:s3] =	ssyncadd.s32 $0xFFFFFFC0;
	s15 =	sadd.s32 s6, s15  }
0x42: {  	[hbm:s24@s4], [sflag:s7] =	dma.strided [hbm:s15@s4], $0x40, s3, $0x10   }
0x43: {  	_ =	swait.ge [sflag:s3], $0x40  }
0x44: {  	(v2sf) =	vpush v0, $0x5;
	_ =	sdelay $0xe  }
0x45: {  	s15 =	spop (v2sf)  }
0x46: {  	s25 =	sshll.u32 s15, $0x9;
	s17 =	sshll.u32 s15, $0x7  }
0x47: {  	s16 =	sand.u32 $0xFFFFF000, s25;
	s17 =	sand.u32 $0x380, s17  }
0x48: {  	s16 =	sor.u32 s17, s16  }
0x49: {  	[sflag:s3] =	ssyncset.done $0x0;
	s16 =	sshrl.u32 s16, $0x3  }
0x4a: {  	s26 =	sadd.s32 $0x240, s8;
	[sflag:s3] =	ssyncadd.s32 $0xFFFFFFC0;
	s16 =	sadd.s32 s6, s16  }
0x4b: {  	[hbm:s26@s4], [sflag:s7] =	dma.strided [hbm:s16@s4], $0x40, s3, $0x10   }
0x4c: {  	_ =	swait.ge [sflag:s3], $0x40  }
0x4d: {  	(v2sf) =	vpush v0, $0x6;
	_ =	sdelay $0xe  }
0x4e: {  	s16 =	spop (v2sf)  }
0x4f: {  	s28 =	sshll.u32 s16, $0x9;
	s18 =	sshll.u32 s16, $0x7  }
0x50: {  	s17 =	sand.u32 $0xFFFFF000, s28;
	s18 =	sand.u32 $0x380, s18  }
0x51: {  	s17 =	sor.u32 s18, s17  }
0x52: {  	[sflag:s3] =	ssyncset.done $0x0;
	s17 =	sshrl.u32 s17, $0x3  }
0x53: {  	s29 =	sadd.s32 $0x50, s8;
	[sflag:s3] =	ssyncadd.s32 $0xFFFFFFC0;
	s17 =	sadd.s32 s6, s17  }
0x54: {  	[hbm:s29@s4], [sflag:s7] =	dma.strided [hbm:s17@s4], $0x40, s3, $0x10   }
0x55: {  	_ =	swait.ge [sflag:s3], $0x40  }
0x56: {  	(v2sf) =	vpush v0, $0x7;
	_ =	sdelay $0xe  }
0x57: {  	s17 =	spop (v2sf)  }
0x58: {  	s30 =	sshll.u32 s17, $0x9;
	s19 =	sshll.u32 s17, $0x7  }
0x59: {  	s18 =	sand.u32 $0xFFFFF000, s30;
	s19 =	sand.u32 $0x380, s19  }
0x5a: {  	s18 =	sor.u32 s19, s18  }
0x5b: {  	[sflag:s3] =	ssyncset.done $0x0;
	s18 =	sshrl.u32 s18, $0x3  }
0x5c: {  	s31 =	sadd.s32 $0x250, s8;
	[sflag:s3] =	ssyncadd.s32 $0xFFFFFFC0;
	s20 =	sadd.s32 s6, s18  }
0x5d: {  	[hbm:s31@s4], [sflag:s7] =	dma.strided [hbm:s20@s4], $0x40, s3, $0x10   }
0x5e: {  	_ =	swait.ge [sflag:s3], $0x40  }
0x5f: {  	[sflag:s3] =	ssyncset.done $0x0  }
0x60: {  	s21 =	sadd.s32 $0x60, s8;
	[sflag:s3] =	ssyncadd.s32 $0xFFFFFFC0  }
0x61: {  	[hbm:s21@s4], [sflag:s7] =	dma.strided [hbm:s5@s9], $0x80, s3, $0x10   }
0x62: {  	_ =	swait.ge [sflag:s3], $0x80  }
0x63: {  	[sflag:s3] =	ssyncset.done $0x0  }
0x64: {  	s22 =	sadd.s32 $0x70, s8;
	[sflag:s3] =	ssyncadd.s32 $0xFFFFFF80  }
0x65: {  	[hbm:s22@s4], [sflag:s7] =	dma.strided [hbm:s5@s9], $0x80, s3, $0x10   }
0x66: {  	_ =	swait.ge [sflag:s3], $0x80  }
0x67: {  	s23 =	sshll.u32 s10, $0x5;
	[sflag:s3] =	ssyncset.done $0x0  }
0x68: {  	s5 =	sshra.s32 s23, $0x2;
	[sflag:s3] =	ssyncadd.s32 $0xFFFFFF80  }
0x69: {  	v63 =	vld [tilespmem:s5+$0x100];
	_ =	sdelay $0x3  }
0x6a: {  	s24 =	sshll.u32 s11, $0x5  }
0x6b: {  	s5 =	sshra.s32 s24, $0x2;
	[tilespmem:$0x80] =	vst v63  }
0x6c: {  	v0 =	vld [tilespmem:s5+$0x100];
	_ =	sdelay $0x3  }
0x6d: {  	s25 =	sshll.u32 s12, $0x5  }
0x6e: {  	s5 =	sshra.s32 s25, $0x2;
	[tilespmem:$0x88] =	vst v0  }
0x6f: {  	v0 =	vld [tilespmem:s5+$0x100];
	_ =	sdelay $0x3  }
0x70: {  	s26 =	sshll.u32 s13, $0x5  }
0x71: {  	s5 =	sshra.s32 s26, $0x2;
	[tilespmem:$0x90] =	vst v0  }
0x72: {  	v0 =	vld [tilespmem:s5+$0x100];
	_ =	sdelay $0x3  }
0x73: {  	s28 =	sshll.u32 s14, $0x5  }
0x74: {  	s5 =	sshra.s32 s28, $0x2;
	[tilespmem:$0x98] =	vst v0  }
0x75: {  	v0 =	vld [tilespmem:s5+$0x100];
	_ =	sdelay $0x3  }
0x76: {  	s29 =	sshll.u32 s15, $0x5  }
0x77: {  	s5 =	sshra.s32 s29, $0x2;
	[tilespmem:$0xA0] =	vst v0  }
0x78: {  	v0 =	vld [tilespmem:s5+$0x100];
	_ =	sdelay $0x3  }
0x79: {  	s30 =	sshll.u32 s16, $0x5  }
0x7a: {  	s5 =	sshra.s32 s30, $0x2;
	[tilespmem:$0xA8] =	vst v0  }
0x7b: {  	v0 =	vld [tilespmem:s5+$0x100];
	_ =	sdelay $0x3  }
0x7c: {  	s31 =	sshll.u32 s17, $0x5  }
0x7d: {  	s5 =	sshra.s32 s31, $0x2;
	[tilespmem:$0xB0] =	vst v0  }
0x7e: {  	v0 =	vld [tilespmem:s5+$0x100];
	_ =	sdelay $0x4  }
0x7f: {  	[tilespmem:$0xB8] =	vst v0  }
0x80: {  	[hbm4b:s1+s2] =	stream.linear.scatter [tilespmem:s4], [sflag:$0x1], $0x40, $0x38;
	[tilespmem:$0x180] =	vst v63  }
0x81: {  	_ =	swait.ge [sflag:s3], $0x40  }
0x82: {  	[sflag:s3] =	ssyncset.done $0x0  }
0x83: {  	[sflag:s3] =	ssyncadd.s32 $0xFFFFFFC0  }
.LBB2_2:
0x84: {  	_ =	sfence.sel $0x180000  }
0x85: {  	[bflag:$0x0] =	sbarrier.arrive $0xFFFF  }
0x86: {  	_ =	strace $0x90000047  }
0x87: {  	s0 =	sadd.s32 @!p0 $0x100000, s0;
	[bflag:$0x2] =	sbarrier.arrive $0xFFFF  }
0x88: {  	[sflag:s0] =	ssyncadd.tile.s32 @!p0 $0x1;
	_ =	shalt  }
.Lfunc_end2:
_tile_overlayer_lowered:
.L_overlay_start_2:
0x89: {  	(tag) =	ssettag $0x2  }
0x8a: {  	s0 =	rddreg [dreg:$0x0];
	s2 =	stileid.u32  }
0x8b: {  	s1 =	rddreg [dreg:$0x1];
	p0 =	sne.s32 s2, $0x0  }
0x8c: {  	s3 =	rddreg [dreg:$0x2];
	[bflag:$0x3] =	sbarrier.arrive $0xFFFF;
	s2 =	simm.s32 @!p0 $0x1C01  }
0x8d: {  	[timem:s3], [sflag:s2] =	dma.local @!p0 [hbm:s0], s1  }
0x8e: {  	s0 =	simm.s32 @!p0 $0x1  }
0x8f: {  	_ =	swait.ge @!p0 [sflag:s0], s1  }
0x90: {  	s1 =	ssub.s32 @!p0 $0x0, s1;
	[sflag:s0] =	ssyncset.done @!p0 $0x0  }
0x91: {  	[sflag:s0] =	ssyncadd.s32 @!p0 s1  }
0x92: {  	[bflag:$0x3] =	sbarrier.arrive $0xFFFF  }
0x93: {  	_ =	shalt  }

</sc_bundles>
